<compile_context>
chip_gen: v7x
topology: tpu7x:2x2x1
jax: 0.10.2.dev20260603
libtpu: 0.0.44.dev20260713+nightly
codegen_flags: <defaults>
</compile_context>

<pallas_src>
import functools

import jax
import jax.numpy as jnp
from jax import lax
from jax.experimental import pallas as pl
from jax.experimental.pallas import tpu as pltpu
from jax.experimental.pallas import tpu_sc as plsc


def _sc_gather(table, idx):
    B = idx.shape[0]
    D = table.shape[1]
    info = plsc.get_sparse_core_info()
    nw = info.num_cores * info.num_subcores
    b_per_w = B // nw
    mesh = plsc.VectorSubcoreMesh(core_axis_name="c", subcore_axis_name="s")

    @functools.partial(
        pl.kernel,
        mesh=mesh,
        out_type=jax.ShapeDtypeStruct((B, D), jnp.float32),
        scratch_types=[
            pltpu.VMEM((b_per_w,), jnp.int32),
            pltpu.VMEM((b_per_w, D), jnp.float32),
            pltpu.SemaphoreType.DMA,
        ],
    )
    def gather_kernel(idx_hbm, table_hbm, out_hbm, idx_v, rows_v, sem):
        wid = lax.axis_index("s") * info.num_cores + lax.axis_index("c")
        base = wid * b_per_w
        pltpu.sync_copy(idx_hbm.at[pl.ds(base, b_per_w)], idx_v)
        copies = []
        for g in range(b_per_w // 16):
            vec = idx_v[pl.ds(g * 16, 16)]
            for l in range(16):
                i = g * 16 + l
                copies.append(
                    pltpu.make_async_copy(
                        table_hbm.at[pl.ds(vec[l], 1)], rows_v.at[pl.ds(i, 1)], sem
                    )
                )
        for c in copies:
            c.start()
        for c in copies:
            c.wait()
        pltpu.sync_copy(rows_v, out_hbm.at[pl.ds(base, b_per_w)])

    return gather_kernel(idx, table)


def _head_kernel(h_ref, w_ref, b_ref, o_ref):
    o_ref[...] = (
        jnp.dot(
            h_ref[...],
            w_ref[...],
            precision=lax.Precision.DEFAULT,
            preferred_element_type=jnp.float32,
        )
        + b_ref[...]
    )


def kernel(x, embed_table, head_w, head_b):
    h = _sc_gather(embed_table, x)
    B, D = h.shape
    V = head_w.shape[1]
    bn = 7168
    out = pl.pallas_call(
        _head_kernel,
        grid=(pl.cdiv(V, bn),),
        in_specs=[
            pl.BlockSpec((B, D), lambda n: (0, 0)),
            pl.BlockSpec((D, bn), lambda n: (0, n)),
            pl.BlockSpec((1, bn), lambda n: (0, n)),
        ],
        out_specs=pl.BlockSpec((B, bn), lambda n: (0, n)),
        out_shape=jax.ShapeDtypeStruct((B, V), jnp.float32),
        compiler_params=pltpu.CompilerParams(vmem_limit_bytes=100 << 20),
    )(h, head_w, head_b.reshape(1, V))
    return out

# --- scband reference (transcript-rebuilt; emitter-appended) ---
"""Pipeline reference for scband-config-model-9655086481749 (READ-ONLY COPY).

The authoritative reference and input builder live on the scoring server;
editing this copy changes nothing except your own understanding.
"""

import jax, jax.numpy as jnp
import numpy as np

VOCAB = 128256
DIM = 64
BATCH = 1024


def setup_inputs(seed: int = 0) -> dict:
    key = jax.random.key(seed)
    k_x, k_emb, k_w, k_b = jax.random.split(key, 4)
    x = jax.random.randint(k_x, (BATCH,), 0, VOCAB, dtype=jnp.int64 if jax.config.jax_enable_x64 else jnp.int32).astype(jnp.int32)
    embed_table = jax.random.normal(k_emb, (VOCAB, DIM), dtype=jnp.float32)
    head_w = jax.random.normal(k_w, (DIM, VOCAB), dtype=jnp.float32) * (1.0 / np.sqrt(DIM))
    head_b = jax.random.normal(k_b, (VOCAB,), dtype=jnp.float32) * 0.01
    return {"x": x, "embed_table": embed_table, "head_w": head_w, "head_b": head_b}


def reference(x, embed_table, head_w, head_b):
    # nn.Embedding: gather rows of the table by token id
    h = jnp.take(embed_table, x, axis=0)  # [B, DIM]
    # nn.Linear: h @ W + b -> logits over vocab
    logits = h @ head_w + head_b  # [B, VOCAB]
    return logits

if __name__ == "__main__":
    import jax
    _d = setup_inputs()
    print(jax.jit(kernel)(*tuple(_d.values())))

</pallas_src>

<mosaic_0001>
#map = affine_map<(d0, d1) -> (0)>
#map1 = affine_map<(d0, d1) -> (0, 0)>
module attributes {stable_mosaic.version = 14 : i64} {
  func.func @gather_kernel(%arg0: i32, %arg1: i32, %arg2: memref<1024xi32, #tpu.memory_space<hbm>>, %arg3: memref<128256x64xf32, #tpu.memory_space<hbm>>, %arg4: memref<1024x64xf32, #tpu.memory_space<hbm>>, %arg5: memref<32xi32, #tpu.memory_space<vmem>>, %arg6: memref<32x64xf32, #tpu.memory_space<vmem>>, %arg7: memref<!tpu.dma_semaphore, #tpu.memory_space<semaphore_mem>>) attributes {dimension_semantics = [#tpu.dimension_semantics<core_parallel>, #tpu.dimension_semantics<subcore_parallel>], iteration_bounds = array<i64: 2, 16>, scalar_prefetch = 0 : i64, scratch_operands = 3 : i64, tpu.core_type = #tpu.core_type<sc_vector_subcore>, window_params = [{transform_indices = #map}, {transform_indices = #map1}, {transform_indices = #map1}]} {
    %mul3A = arith.constant 2 : i32
    %mul3A_0 = arith.muli %arg1, %mul3A : i32
    %add3A = arith.addi %mul3A_0, %arg0 : i32
    %mul3A_1 = arith.constant 32 : i32
    %mul3A_2 = arith.muli %add3A, %mul3A_1 : i32
    "tpu.region"() ({
      %run_scoped3A = tpu.sem_alloc : memref<!tpu.dma_semaphore, #tpu.memory_space<semaphore_mem>>
      %dma_start3A_708 = tpu.memref_slice %arg2[%mul3A_2] : memref<1024xi32, #tpu.memory_space<hbm>> -> memref<32xi32, #tpu.memory_space<hbm>>
      %dma_start3A_709 = tpu.memref_slice %arg2[%mul3A_2] : memref<1024xi32, #tpu.memory_space<hbm>> -> memref<32xi32, #tpu.memory_space<hbm>>
      tpu.enqueue_dma source(%dma_start3A_709 : memref<32xi32, #tpu.memory_space<hbm>>) target(%arg5 : memref<32xi32, #tpu.memory_space<vmem>>) target_semaphore(%run_scoped3A : memref<!tpu.dma_semaphore, #tpu.memory_space<semaphore_mem>>)
      %dma_wait3A_710 = tpu.memref_slice %arg2[%mul3A_2] : memref<1024xi32, #tpu.memory_space<hbm>> -> memref<32xi32, #tpu.memory_space<hbm>>
      %dma_wait3A_711 = tpu.memref_slice %arg2[%mul3A_2] : memref<1024xi32, #tpu.memory_space<hbm>> -> memref<32xi32, #tpu.memory_space<hbm>>
      tpu.wait_dma2 semaphore(%run_scoped3A : memref<!tpu.dma_semaphore, #tpu.memory_space<semaphore_mem>>) src(%dma_wait3A_711 : memref<32xi32, #tpu.memory_space<hbm>>) dst(%arg5 : memref<32xi32, #tpu.memory_space<vmem>>)
      tpu.yield
    }) : () -> ()
    %get3A = arith.constant 0 : index
    %get3A_3 = tpu.vector_load %arg5[%get3A] {strides = array<i32>} : memref<32xi32, #tpu.memory_space<vmem>>, vector<16xi32>,
    %get3A_4 = vector.shape_cast %get3A_3 : vector<16xi32> to vector<16xi32>
    %slice3A = vector.extract_strided_slice %get3A_4 {offsets = [0], sizes = [1], strides = [1]} : vector<16xi32> to vector<1xi32>
    %squeeze3A = vector.extract %slice3A[0] : i32 from vector<1xi32>
    %slice3A_5 = vector.extract_strided_slice %get3A_4 {offsets = [1], sizes = [1], strides = [1]} : vector<16xi32> to vector<1xi32>
    %squeeze3A_6 = vector.extract %slice3A_5[0] : i32 from vector<1xi32>
    %slice3A_7 = vector.extract_strided_slice %get3A_4 {offsets = [2], sizes = [1], strides = [1]} : vector<16xi32> to vector<1xi32>
    %squeeze3A_8 = vector.extract %slice3A_7[0] : i32 from vector<1xi32>
    %slice3A_9 = vector.extract_strided_slice %get3A_4 {offsets = [3], sizes = [1], strides = [1]} : vector<16xi32> to vector<1xi32>
    %squeeze3A_10 = vector.extract %slice3A_9[0] : i32 from vector<1xi32>
    %slice3A_11 = vector.extract_strided_slice %get3A_4 {offsets = [4], sizes = [1], strides = [1]} : vector<16xi32> to vector<1xi32>
    %squeeze3A_12 = vector.extract %slice3A_11[0] : i32 from vector<1xi32>
    %slice3A_13 = vector.extract_strided_slice %get3A_4 {offsets = [5], sizes = [1], strides = [1]} : vector<16xi32> to vector<1xi32>
    %squeeze3A_14 = vector.extract %slice3A_13[0] : i32 from vector<1xi32>
    %slice3A_15 = vector.extract_strided_slice %get3A_4 {offsets = [6], sizes = [1], strides = [1]} : vector<16xi32> to vector<1xi32>
    %squeeze3A_16 = vector.extract %slice3A_15[0] : i32 from vector<1xi32>
    %slice3A_17 = vector.extract_strided_slice %get3A_4 {offsets = [7], sizes = [1], strides = [1]} : vector<16xi32> to vector<1xi32>
    %squeeze3A_18 = vector.extract %slice3A_17[0] : i32 from vector<1xi32>
    %slice3A_19 = vector.extract_strided_slice %get3A_4 {offsets = [8], sizes = [1], strides = [1]} : vector<16xi32> to vector<1xi32>
    %squeeze3A_20 = vector.extract %slice3A_19[0] : i32 from vector<1xi32>
    %slice3A_21 = vector.extract_strided_slice %get3A_4 {offsets = [9], sizes = [1], strides = [1]} : vector<16xi32> to vector<1xi32>
    %squeeze3A_22 = vector.extract %slice3A_21[0] : i32 from vector<1xi32>
    %slice3A_23 = vector.extract_strided_slice %get3A_4 {offsets = [10], sizes = [1], strides = [1]} : vector<16xi32> to vector<1xi32>
    %squeeze3A_24 = vector.extract %slice3A_23[0] : i32 from vector<1xi32>
    %slice3A_25 = vector.extract_strided_slice %get3A_4 {offsets = [11], sizes = [1], strides = [1]} : vector<16xi32> to vector<1xi32>
    %squeeze3A_26 = vector.extract %slice3A_25[0] : i32 from vector<1xi32>
    %slice3A_27 = vector.extract_strided_slice %get3A_4 {offsets = [12], sizes = [1], strides = [1]} : vector<16xi32> to vector<1xi32>
    %squeeze3A_28 = vector.extract %slice3A_27[0] : i32 from vector<1xi32>
    %slice3A_29 = vector.extract_strided_slice %get3A_4 {offsets = [13], sizes = [1], strides = [1]} : vector<16xi32> to vector<1xi32>
    %squeeze3A_30 = vector.extract %slice3A_29[0] : i32 from vector<1xi32>
    %slice3A_31 = vector.extract_strided_slice %get3A_4 {offsets = [14], sizes = [1], strides = [1]} : vector<16xi32> to vector<1xi32>
    %squeeze3A_32 = vector.extract %slice3A_31[0] : i32 from vector<1xi32>
    %slice3A_33 = vector.extract_strided_slice %get3A_4 {offsets = [15], sizes = [1], strides = [1]} : vector<16xi32> to vector<1xi32>
    %squeeze3A_34 = vector.extract %slice3A_33[0] : i32 from vector<1xi32>
    %get3A_35 = arith.constant 16 : index
    %get3A_36 = tpu.vector_load %arg5[%get3A_35] {strides = array<i32>} : memref<32xi32, #tpu.memory_space<vmem>>, vector<16xi32>,
    %get3A_37 = vector.shape_cast %get3A_36 : vector<16xi32> to vector<16xi32>
    %slice3A_38 = vector.extract_strided_slice %get3A_37 {offsets = [0], sizes = [1], strides = [1]} : vector<16xi32> to vector<1xi32>
    %squeeze3A_39 = vector.extract %slice3A_38[0] : i32 from vector<1xi32>
    %slice3A_40 = vector.extract_strided_slice %get3A_37 {offsets = [1], sizes = [1], strides = [1]} : vector<16xi32> to vector<1xi32>
    %squeeze3A_41 = vector.extract %slice3A_40[0] : i32 from vector<1xi32>
    %slice3A_42 = vector.extract_strided_slice %get3A_37 {offsets = [2], sizes = [1], strides = [1]} : vector<16xi32> to vector<1xi32>
    %squeeze3A_43 = vector.extract %slice3A_42[0] : i32 from vector<1xi32>
    %slice3A_44 = vector.extract_strided_slice %get3A_37 {offsets = [3], sizes = [1], strides = [1]} : vector<16xi32> to vector<1xi32>
    %squeeze3A_45 = vector.extract %slice3A_44[0] : i32 from vector<1xi32>
    %slice3A_46 = vector.extract_strided_slice %get3A_37 {offsets = [4], sizes = [1], strides = [1]} : vector<16xi32> to vector<1xi32>
    %squeeze3A_47 = vector.extract %slice3A_46[0] : i32 from vector<1xi32>
    %slice3A_48 = vector.extract_strided_slice %get3A_37 {offsets = [5], sizes = [1], strides = [1]} : vector<16xi32> to vector<1xi32>
    %squeeze3A_49 = vector.extract %slice3A_48[0] : i32 from vector<1xi32>
    %slice3A_50 = vector.extract_strided_slice %get3A_37 {offsets = [6], sizes = [1], strides = [1]} : vector<16xi32> to vector<1xi32>
    %squeeze3A_51 = vector.extract %slice3A_50[0] : i32 from vector<1xi32>
    %slice3A_52 = vector.extract_strided_slice %get3A_37 {offsets = [7], sizes = [1], strides = [1]} : vector<16xi32> to vector<1xi32>
    %squeeze3A_53 = vector.extract %slice3A_52[0] : i32 from vector<1xi32>
    %slice3A_54 = vector.extract_strided_slice %get3A_37 {offsets = [8], sizes = [1], strides = [1]} : vector<16xi32> to vector<1xi32>
    %squeeze3A_55 = vector.extract %slice3A_54[0] : i32 from vector<1xi32>
    %slice3A_56 = vector.extract_strided_slice %get3A_37 {offsets = [9], sizes = [1], strides = [1]} : vector<16xi32> to vector<1xi32>
    %squeeze3A_57 = vector.extract %slice3A_56[0] : i32 from vector<1xi32>
    %slice3A_58 = vector.extract_strided_slice %get3A_37 {offsets = [10], sizes = [1], strides = [1]} : vector<16xi32> to vector<1xi32>
    %squeeze3A_59 = vector.extract %slice3A_58[0] : i32 from vector<1xi32>
    %slice3A_60 = vector.extract_strided_slice %get3A_37 {offsets = [11], sizes = [1], strides = [1]} : vector<16xi32> to vector<1xi32>
    %squeeze3A_61 = vector.extract %slice3A_60[0] : i32 from vector<1xi32>
    %slice3A_62 = vector.extract_strided_slice %get3A_37 {offsets = [12], sizes = [1], strides = [1]} : vector<16xi32> to vector<1xi32>
    %squeeze3A_63 = vector.extract %slice3A_62[0] : i32 from vector<1xi32>
    %slice3A_64 = vector.extract_strided_slice %get3A_37 {offsets = [13], sizes = [1], strides = [1]} : vector<16xi32> to vector<1xi32>
    %squeeze3A_65 = vector.extract %slice3A_64[0] : i32 from vector<1xi32>
    %slice3A_66 = vector.extract_strided_slice %get3A_37 {offsets = [14], sizes = [1], strides = [1]} : vector<16xi32> to vector<1xi32>
    %squeeze3A_67 = vector.extract %slice3A_66[0] : i32 from vector<1xi32>
    %slice3A_68 = vector.extract_strided_slice %get3A_37 {offsets = [15], sizes = [1], strides = [1]} : vector<16xi32> to vector<1xi32>
    %squeeze3A_69 = vector.extract %slice3A_68[0] : i32 from vector<1xi32>
    %dma_start3A = arith.constant 0 : i32
    %dma_start3A_70 = arith.constant 0 : i32
    %dma_start3A_71 = tpu.memref_slice %arg6[%dma_start3A, %dma_start3A_70] : memref<32x64xf32, #tpu.memory_space<vmem>> -> memref<1x64xf32, #tpu.memory_space<vmem>>
    %dma_start3A_72 = arith.constant 0 : i32
    %dma_start3A_73 = tpu.memref_slice %arg3[%squeeze3A, %dma_start3A_72] : memref<128256x64xf32, #tpu.memory_space<hbm>> -> memref<1x64xf32, #tpu.memory_space<hbm>>
    %dma_start3A_74 = arith.constant 0 : i32
    %dma_start3A_75 = arith.constant 0 : i32
    %dma_start3A_76 = tpu.memref_slice %arg6[%dma_start3A_74, %dma_start3A_75] : memref<32x64xf32, #tpu.memory_space<vmem>> -> memref<1x64xf32, #tpu.memory_space<vmem>>
    %dma_start3A_77 = arith.constant 0 : i32
    %dma_start3A_78 = tpu.memref_slice %arg3[%squeeze3A, %dma_start3A_77] : memref<128256x64xf32, #tpu.memory_space<hbm>> -> memref<1x64xf32, #tpu.memory_space<hbm>>
    tpu.enqueue_dma source(%dma_start3A_78 : memref<1x64xf32, #tpu.memory_space<hbm>>) target(%dma_start3A_76 : memref<1x64xf32, #tpu.memory_space<vmem>>) target_semaphore(%arg7 : memref<!tpu.dma_semaphore, #tpu.memory_space<semaphore_mem>>)
    %dma_start3A_79 = arith.constant 1 : i32
    %dma_start3A_80 = arith.constant 0 : i32
    %dma_start3A_81 = tpu.memref_slice %arg6[%dma_start3A_79, %dma_start3A_80] : memref<32x64xf32, #tpu.memory_space<vmem>> -> memref<1x64xf32, #tpu.memory_space<vmem>>
    %dma_start3A_82 = arith.constant 0 : i32
    %dma_start3A_83 = tpu.memref_slice %arg3[%squeeze3A_6, %dma_start3A_82] : memref<128256x64xf32, #tpu.memory_space<hbm>> -> memref<1x64xf32, #tpu.memory_space<hbm>>
    %dma_start3A_84 = arith.constant 1 : i32
    %dma_start3A_85 = arith.constant 0 : i32
    %dma_start3A_86 = tpu.memref_slice %arg6[%dma_start3A_84, %dma_start3A_85] : memref<32x64xf32, #tpu.memory_space<vmem>> -> memref<1x64xf32, #tpu.memory_space<vmem>>
    %dma_start3A_87 = arith.constant 0 : i32
    %dma_start3A_88 = tpu.memref_slice %arg3[%squeeze3A_6, %dma_start3A_87] : memref<128256x64xf32, #tpu.memory_space<hbm>> -> memref<1x64xf32, #tpu.memory_space<hbm>>
    tpu.enqueue_dma source(%dma_start3A_88 : memref<1x64xf32, #tpu.memory_space<hbm>>) target(%dma_start3A_86 : memref<1x64xf32, #tpu.memory_space<vmem>>) target_semaphore(%arg7 : memref<!tpu.dma_semaphore, #tpu.memory_space<semaphore_mem>>)
    %dma_start3A_89 = arith.constant 2 : i32
    %dma_start3A_90 = arith.constant 0 : i32
    %dma_start3A_91 = tpu.memref_slice %arg6[%dma_start3A_89, %dma_start3A_90] : memref<32x64xf32, #tpu.memory_space<vmem>> -> memref<1x64xf32, #tpu.memory_space<vmem>>
    %dma_start3A_92 = arith.constant 0 : i32
    %dma_start3A_93 = tpu.memref_slice %arg3[%squeeze3A_8, %dma_start3A_92] : memref<128256x64xf32, #tpu.memory_space<hbm>> -> memref<1x64xf32, #tpu.memory_space<hbm>>
    %dma_start3A_94 = arith.constant 2 : i32
    %dma_start3A_95 = arith.constant 0 : i32
    %dma_start3A_96 = tpu.memref_slice %arg6[%dma_start3A_94, %dma_start3A_95] : memref<32x64xf32, #tpu.memory_space<vmem>> -> memref<1x64xf32, #tpu.memory_space<vmem>>
    %dma_start3A_97 = arith.constant 0 : i32
    %dma_start3A_98 = tpu.memref_slice %arg3[%squeeze3A_8, %dma_start3A_97] : memref<128256x64xf32, #tpu.memory_space<hbm>> -> memref<1x64xf32, #tpu.memory_space<hbm>>
    tpu.enqueue_dma source(%dma_start3A_98 : memref<1x64xf32, #tpu.memory_space<hbm>>) target(%dma_start3A_96 : memref<1x64xf32, #tpu.memory_space<vmem>>) target_semaphore(%arg7 : memref<!tpu.dma_semaphore, #tpu.memory_space<semaphore_mem>>)
    %dma_start3A_99 = arith.constant 3 : i32
    %dma_start3A_100 = arith.constant 0 : i32
    %dma_start3A_101 = tpu.memref_slice %arg6[%dma_start3A_99, %dma_start3A_100] : memref<32x64xf32, #tpu.memory_space<vmem>> -> memref<1x64xf32, #tpu.memory_space<vmem>>
    %dma_start3A_102 = arith.constant 0 : i32
    %dma_start3A_103 = tpu.memref_slice %arg3[%squeeze3A_10, %dma_start3A_102] : memref<128256x64xf32, #tpu.memory_space<hbm>> -> memref<1x64xf32, #tpu.memory_space<hbm>>
    %dma_start3A_104 = arith.constant 3 : i32
    %dma_start3A_105 = arith.constant 0 : i32
    %dma_start3A_106 = tpu.memref_slice %arg6[%dma_start3A_104, %dma_start3A_105] : memref<32x64xf32, #tpu.memory_space<vmem>> -> memref<1x64xf32, #tpu.memory_space<vmem>>
    %dma_start3A_107 = arith.constant 0 : i32
    %dma_start3A_108 = tpu.memref_slice %arg3[%squeeze3A_10, %dma_start3A_107] : memref<128256x64xf32, #tpu.memory_space<hbm>> -> memref<1x64xf32, #tpu.memory_space<hbm>>
    tpu.enqueue_dma source(%dma_start3A_108 : memref<1x64xf32, #tpu.memory_space<hbm>>) target(%dma_start3A_106 : memref<1x64xf32, #tpu.memory_space<vmem>>) target_semaphore(%arg7 : memref<!tpu.dma_semaphore, #tpu.memory_space<semaphore_mem>>)
    %dma_start3A_109 = arith.constant 4 : i32
    %dma_start3A_110 = arith.constant 0 : i32
    %dma_start3A_111 = tpu.memref_slice %arg6[%dma_start3A_109, %dma_start3A_110] : memref<32x64xf32, #tpu.memory_space<vmem>> -> memref<1x64xf32, #tpu.memory_space<vmem>>
    %dma_start3A_112 = arith.constant 0 : i32
    %dma_start3A_113 = tpu.memref_slice %arg3[%squeeze3A_12, %dma_start3A_112] : memref<128256x64xf32, #tpu.memory_space<hbm>> -> memref<1x64xf32, #tpu.memory_space<hbm>>
    %dma_start3A_114 = arith.constant 4 : i32
    %dma_start3A_115 = arith.constant 0 : i32
    %dma_start3A_116 = tpu.memref_slice %arg6[%dma_start3A_114, %dma_start3A_115] : memref<32x64xf32, #tpu.memory_space<vmem>> -> memref<1x64xf32, #tpu.memory_space<vmem>>
    %dma_start3A_117 = arith.constant 0 : i32
    %dma_start3A_118 = tpu.memref_slice %arg3[%squeeze3A_12, %dma_start3A_117] : memref<128256x64xf32, #tpu.memory_space<hbm>> -> memref<1x64xf32, #tpu.memory_space<hbm>>
    tpu.enqueue_dma source(%dma_start3A_118 : memref<1x64xf32, #tpu.memory_space<hbm>>) target(%dma_start3A_116 : memref<1x64xf32, #tpu.memory_space<vmem>>) target_semaphore(%arg7 : memref<!tpu.dma_semaphore, #tpu.memory_space<semaphore_mem>>)
    %dma_start3A_119 = arith.constant 5 : i32
    %dma_start3A_120 = arith.constant 0 : i32
    %dma_start3A_121 = tpu.memref_slice %arg6[%dma_start3A_119, %dma_start3A_120] : memref<32x64xf32, #tpu.memory_space<vmem>> -> memref<1x64xf32, #tpu.memory_space<vmem>>
    %dma_start3A_122 = arith.constant 0 : i32
    %dma_start3A_123 = tpu.memref_slice %arg3[%squeeze3A_14, %dma_start3A_122] : memref<128256x64xf32, #tpu.memory_space<hbm>> -> memref<1x64xf32, #tpu.memory_space<hbm>>
    %dma_start3A_124 = arith.constant 5 : i32
    %dma_start3A_125 = arith.constant 0 : i32
    %dma_start3A_126 = tpu.memref_slice %arg6[%dma_start3A_124, %dma_start3A_125] : memref<32x64xf32, #tpu.memory_space<vmem>> -> memref<1x64xf32, #tpu.memory_space<vmem>>
    %dma_start3A_127 = arith.constant 0 : i32
    %dma_start3A_128 = tpu.memref_slice %arg3[%squeeze3A_14, %dma_start3A_127] : memref<128256x64xf32, #tpu.memory_space<hbm>> -> memref<1x64xf32, #tpu.memory_space<hbm>>
    tpu.enqueue_dma source(%dma_start3A_128 : memref<1x64xf32, #tpu.memory_space<hbm>>) target(%dma_start3A_126 : memref<1x64xf32, #tpu.memory_space<vmem>>) target_semaphore(%arg7 : memref<!tpu.dma_semaphore, #tpu.memory_space<semaphore_mem>>)
    %dma_start3A_129 = arith.constant 6 : i32
    %dma_start3A_130 = arith.constant 0 : i32
    %dma_start3A_131 = tpu.memref_slice %arg6[%dma_start3A_129, %dma_start3A_130] : memref<32x64xf32, #tpu.memory_space<vmem>> -> memref<1x64xf32, #tpu.memory_space<vmem>>
    %dma_start3A_132 = arith.constant 0 : i32
    %dma_start3A_133 = tpu.memref_slice %arg3[%squeeze3A_16, %dma_start3A_132] : memref<128256x64xf32, #tpu.memory_space<hbm>> -> memref<1x64xf32, #tpu.memory_space<hbm>>
    %dma_start3A_134 = arith.constant 6 : i32
    %dma_start3A_135 = arith.constant 0 : i32
    %dma_start3A_136 = tpu.memref_slice %arg6[%dma_start3A_134, %dma_start3A_135] : memref<32x64xf32, #tpu.memory_space<vmem>> -> memref<1x64xf32, #tpu.memory_space<vmem>>
    %dma_start3A_137 = arith.constant 0 : i32
    %dma_start3A_138 = tpu.memref_slice %arg3[%squeeze3A_16, %dma_start3A_137] : memref<128256x64xf32, #tpu.memory_space<hbm>> -> memref<1x64xf32, #tpu.memory_space<hbm>>
    tpu.enqueue_dma source(%dma_start3A_138 : memref<1x64xf32, #tpu.memory_space<hbm>>) target(%dma_start3A_136 : memref<1x64xf32, #tpu.memory_space<vmem>>) target_semaphore(%arg7 : memref<!tpu.dma_semaphore, #tpu.memory_space<semaphore_mem>>)
    %dma_start3A_139 = arith.constant 7 : i32
    %dma_start3A_140 = arith.constant 0 : i32
    %dma_start3A_141 = tpu.memref_slice %arg6[%dma_start3A_139, %dma_start3A_140] : memref<32x64xf32, #tpu.memory_space<vmem>> -> memref<1x64xf32, #tpu.memory_space<vmem>>
    %dma_start3A_142 = arith.constant 0 : i32
    %dma_start3A_143 = tpu.memref_slice %arg3[%squeeze3A_18, %dma_start3A_142] : memref<128256x64xf32, #tpu.memory_space<hbm>> -> memref<1x64xf32, #tpu.memory_space<hbm>>
    %dma_start3A_144 = arith.constant 7 : i32
    %dma_start3A_145 = arith.constant 0 : i32
    %dma_start3A_146 = tpu.memref_slice %arg6[%dma_start3A_144, %dma_start3A_145] : memref<32x64xf32, #tpu.memory_space<vmem>> -> memref<1x64xf32, #tpu.memory_space<vmem>>
    %dma_start3A_147 = arith.constant 0 : i32
    %dma_start3A_148 = tpu.memref_slice %arg3[%squeeze3A_18, %dma_start3A_147] : memref<128256x64xf32, #tpu.memory_space<hbm>> -> memref<1x64xf32, #tpu.memory_space<hbm>>
    tpu.enqueue_dma source(%dma_start3A_148 : memref<1x64xf32, #tpu.memory_space<hbm>>) target(%dma_start3A_146 : memref<1x64xf32, #tpu.memory_space<vmem>>) target_semaphore(%arg7 : memref<!tpu.dma_semaphore, #tpu.memory_space<semaphore_mem>>)
    %dma_start3A_149 = arith.constant 8 : i32
    %dma_start3A_150 = arith.constant 0 : i32
    %dma_start3A_151 = tpu.memref_slice %arg6[%dma_start3A_149, %dma_start3A_150] : memref<32x64xf32, #tpu.memory_space<vmem>> -> memref<1x64xf32, #tpu.memory_space<vmem>>
    %dma_start3A_152 = arith.constant 0 : i32
    %dma_start3A_153 = tpu.memref_slice %arg3[%squeeze3A_20, %dma_start3A_152] : memref<128256x64xf32, #tpu.memory_space<hbm>> -> memref<1x64xf32, #tpu.memory_space<hbm>>
    %dma_start3A_154 = arith.constant 8 : i32
    %dma_start3A_155 = arith.constant 0 : i32
    %dma_start3A_156 = tpu.memref_slice %arg6[%dma_start3A_154, %dma_start3A_155] : memref<32x64xf32, #tpu.memory_space<vmem>> -> memref<1x64xf32, #tpu.memory_space<vmem>>
    %dma_start3A_157 = arith.constant 0 : i32
    %dma_start3A_158 = tpu.memref_slice %arg3[%squeeze3A_20, %dma_start3A_157] : memref<128256x64xf32, #tpu.memory_space<hbm>> -> memref<1x64xf32, #tpu.memory_space<hbm>>
    tpu.enqueue_dma source(%dma_start3A_158 : memref<1x64xf32, #tpu.memory_space<hbm>>) target(%dma_start3A_156 : memref<1x64xf32, #tpu.memory_space<vmem>>) target_semaphore(%arg7 : memref<!tpu.dma_semaphore, #tpu.memory_space<semaphore_mem>>)
    %dma_start3A_159 = arith.constant 9 : i32
    %dma_start3A_160 = arith.constant 0 : i32
    %dma_start3A_161 = tpu.memref_slice %arg6[%dma_start3A_159, %dma_start3A_160] : memref<32x64xf32, #tpu.memory_space<vmem>> -> memref<1x64xf32, #tpu.memory_space<vmem>>
    %dma_start3A_162 = arith.constant 0 : i32
    %dma_start3A_163 = tpu.memref_slice %arg3[%squeeze3A_22, %dma_start3A_162] : memref<128256x64xf32, #tpu.memory_space<hbm>> -> memref<1x64xf32, #tpu.memory_space<hbm>>
    %dma_start3A_164 = arith.constant 9 : i32
    %dma_start3A_165 = arith.constant 0 : i32
    %dma_start3A_166 = tpu.memref_slice %arg6[%dma_start3A_164, %dma_start3A_165] : memref<32x64xf32, #tpu.memory_space<vmem>> -> memref<1x64xf32, #tpu.memory_space<vmem>>
    %dma_start3A_167 = arith.constant 0 : i32
    %dma_start3A_168 = tpu.memref_slice %arg3[%squeeze3A_22, %dma_start3A_167] : memref<128256x64xf32, #tpu.memory_space<hbm>> -> memref<1x64xf32, #tpu.memory_space<hbm>>
    tpu.enqueue_dma source(%dma_start3A_168 : memref<1x64xf32, #tpu.memory_space<hbm>>) target(%dma_start3A_166 : memref<1x64xf32, #tpu.memory_space<vmem>>) target_semaphore(%arg7 : memref<!tpu.dma_semaphore, #tpu.memory_space<semaphore_mem>>)
    %dma_start3A_169 = arith.constant 10 : i32
    %dma_start3A_170 = arith.constant 0 : i32
    %dma_start3A_171 = tpu.memref_slice %arg6[%dma_start3A_169, %dma_start3A_170] : memref<32x64xf32, #tpu.memory_space<vmem>> -> memref<1x64xf32, #tpu.memory_space<vmem>>
    %dma_start3A_172 = arith.constant 0 : i32
    %dma_start3A_173 = tpu.memref_slice %arg3[%squeeze3A_24, %dma_start3A_172] : memref<128256x64xf32, #tpu.memory_space<hbm>> -> memref<1x64xf32, #tpu.memory_space<hbm>>
    %dma_start3A_174 = arith.constant 10 : i32
    %dma_start3A_175 = arith.constant 0 : i32
    %dma_start3A_176 = tpu.memref_slice %arg6[%dma_start3A_174, %dma_start3A_175] : memref<32x64xf32, #tpu.memory_space<vmem>> -> memref<1x64xf32, #tpu.memory_space<vmem>>
    %dma_start3A_177 = arith.constant 0 : i32
    %dma_start3A_178 = tpu.memref_slice %arg3[%squeeze3A_24, %dma_start3A_177] : memref<128256x64xf32, #tpu.memory_space<hbm>> -> memref<1x64xf32, #tpu.memory_space<hbm>>
    tpu.enqueue_dma source(%dma_start3A_178 : memref<1x64xf32, #tpu.memory_space<hbm>>) target(%dma_start3A_176 : memref<1x64xf32, #tpu.memory_space<vmem>>) target_semaphore(%arg7 : memref<!tpu.dma_semaphore, #tpu.memory_space<semaphore_mem>>)
    %dma_start3A_179 = arith.constant 11 : i32
    %dma_start3A_180 = arith.constant 0 : i32
    %dma_start3A_181 = tpu.memref_slice %arg6[%dma_start3A_179, %dma_start3A_180] : memref<32x64xf32, #tpu.memory_space<vmem>> -> memref<1x64xf32, #tpu.memory_space<vmem>>
    %dma_start3A_182 = arith.constant 0 : i32
    %dma_start3A_183 = tpu.memref_slice %arg3[%squeeze3A_26, %dma_start3A_182] : memref<128256x64xf32, #tpu.memory_space<hbm>> -> memref<1x64xf32, #tpu.memory_space<hbm>>
    %dma_start3A_184 = arith.constant 11 : i32
    %dma_start3A_185 = arith.constant 0 : i32
    %dma_start3A_186 = tpu.memref_slice %arg6[%dma_start3A_184, %dma_start3A_185] : memref<32x64xf32, #tpu.memory_space<vmem>> -> memref<1x64xf32, #tpu.memory_space<vmem>>
    %dma_start3A_187 = arith.constant 0 : i32
    %dma_start3A_188 = tpu.memref_slice %arg3[%squeeze3A_26, %dma_start3A_187] : memref<128256x64xf32, #tpu.memory_space<hbm>> -> memref<1x64xf32, #tpu.memory_space<hbm>>
    tpu.enqueue_dma source(%dma_start3A_188 : memref<1x64xf32, #tpu.memory_space<hbm>>) target(%dma_start3A_186 : memref<1x64xf32, #tpu.memory_space<vmem>>) target_semaphore(%arg7 : memref<!tpu.dma_semaphore, #tpu.memory_space<semaphore_mem>>)
    %dma_start3A_189 = arith.constant 12 : i32
    %dma_start3A_190 = arith.constant 0 : i32
    %dma_start3A_191 = tpu.memref_slice %arg6[%dma_start3A_189, %dma_start3A_190] : memref<32x64xf32, #tpu.memory_space<vmem>> -> memref<1x64xf32, #tpu.memory_space<vmem>>
    %dma_start3A_192 = arith.constant 0 : i32
    %dma_start3A_193 = tpu.memref_slice %arg3[%squeeze3A_28, %dma_start3A_192] : memref<128256x64xf32, #tpu.memory_space<hbm>> -> memref<1x64xf32, #tpu.memory_space<hbm>>
    %dma_start3A_194 = arith.constant 12 : i32
    %dma_start3A_195 = arith.constant 0 : i32
    %dma_start3A_196 = tpu.memref_slice %arg6[%dma_start3A_194, %dma_start3A_195] : memref<32x64xf32, #tpu.memory_space<vmem>> -> memref<1x64xf32, #tpu.memory_space<vmem>>
    %dma_start3A_197 = arith.constant 0 : i32
    %dma_start3A_198 = tpu.memref_slice %arg3[%squeeze3A_28, %dma_start3A_197] : memref<128256x64xf32, #tpu.memory_space<hbm>> -> memref<1x64xf32, #tpu.memory_space<hbm>>
    tpu.enqueue_dma source(%dma_start3A_198 : memref<1x64xf32, #tpu.memory_space<hbm>>) target(%dma_start3A_196 : memref<1x64xf32, #tpu.memory_space<vmem>>) target_semaphore(%arg7 : memref<!tpu.dma_semaphore, #tpu.memory_space<semaphore_mem>>)
    %dma_start3A_199 = arith.constant 13 : i32
    %dma_start3A_200 = arith.constant 0 : i32
    %dma_start3A_201 = tpu.memref_slice %arg6[%dma_start3A_199, %dma_start3A_200] : memref<32x64xf32, #tpu.memory_space<vmem>> -> memref<1x64xf32, #tpu.memory_space<vmem>>
    %dma_start3A_202 = arith.constant 0 : i32
    %dma_start3A_203 = tpu.memref_slice %arg3[%squeeze3A_30, %dma_start3A_202] : memref<128256x64xf32, #tpu.memory_space<hbm>> -> memref<1x64xf32, #tpu.memory_space<hbm>>
    %dma_start3A_204 = arith.constant 13 : i32
    %dma_start3A_205 = arith.constant 0 : i32
    %dma_start3A_206 = tpu.memref_slice %arg6[%dma_start3A_204, %dma_start3A_205] : memref<32x64xf32, #tpu.memory_space<vmem>> -> memref<1x64xf32, #tpu.memory_space<vmem>>
    %dma_start3A_207 = arith.constant 0 : i32
    %dma_start3A_208 = tpu.memref_slice %arg3[%squeeze3A_30, %dma_start3A_207] : memref<128256x64xf32, #tpu.memory_space<hbm>> -> memref<1x64xf32, #tpu.memory_space<hbm>>
    tpu.enqueue_dma source(%dma_start3A_208 : memref<1x64xf32, #tpu.memory_space<hbm>>) target(%dma_start3A_206 : memref<1x64xf32, #tpu.memory_space<vmem>>) target_semaphore(%arg7 : memref<!tpu.dma_semaphore, #tpu.memory_space<semaphore_mem>>)
    %dma_start3A_209 = arith.constant 14 : i32
    %dma_start3A_210 = arith.constant 0 : i32
    %dma_start3A_211 = tpu.memref_slice %arg6[%dma_start3A_209, %dma_start3A_210] : memref<32x64xf32, #tpu.memory_space<vmem>> -> memref<1x64xf32, #tpu.memory_space<vmem>>
    %dma_start3A_212 = arith.constant 0 : i32
    %dma_start3A_213 = tpu.memref_slice %arg3[%squeeze3A_32, %dma_start3A_212] : memref<128256x64xf32, #tpu.memory_space<hbm>> -> memref<1x64xf32, #tpu.memory_space<hbm>>
    %dma_start3A_214 = arith.constant 14 : i32
    %dma_start3A_215 = arith.constant 0 : i32
    %dma_start3A_216 = tpu.memref_slice %arg6[%dma_start3A_214, %dma_start3A_215] : memref<32x64xf32, #tpu.memory_space<vmem>> -> memref<1x64xf32, #tpu.memory_space<vmem>>
    %dma_start3A_217 = arith.constant 0 : i32
    %dma_start3A_218 = tpu.memref_slice %arg3[%squeeze3A_32, %dma_start3A_217] : memref<128256x64xf32, #tpu.memory_space<hbm>> -> memref<1x64xf32, #tpu.memory_space<hbm>>
    tpu.enqueue_dma source(%dma_start3A_218 : memref<1x64xf32, #tpu.memory_space<hbm>>) target(%dma_start3A_216 : memref<1x64xf32, #tpu.memory_space<vmem>>) target_semaphore(%arg7 : memref<!tpu.dma_semaphore, #tpu.memory_space<semaphore_mem>>)
    %dma_start3A_219 = arith.constant 15 : i32
    %dma_start3A_220 = arith.constant 0 : i32
    %dma_start3A_221 = tpu.memref_slice %arg6[%dma_start3A_219, %dma_start3A_220] : memref<32x64xf32, #tpu.memory_space<vmem>> -> memref<1x64xf32, #tpu.memory_space<vmem>>
    %dma_start3A_222 = arith.constant 0 : i32
    %dma_start3A_223 = tpu.memref_slice %arg3[%squeeze3A_34, %dma_start3A_222] : memref<128256x64xf32, #tpu.memory_space<hbm>> -> memref<1x64xf32, #tpu.memory_space<hbm>>
    %dma_start3A_224 = arith.constant 15 : i32
    %dma_start3A_225 = arith.constant 0 : i32
    %dma_start3A_226 = tpu.memref_slice %arg6[%dma_start3A_224, %dma_start3A_225] : memref<32x64xf32, #tpu.memory_space<vmem>> -> memref<1x64xf32, #tpu.memory_space<vmem>>
    %dma_start3A_227 = arith.constant 0 : i32
    %dma_start3A_228 = tpu.memref_slice %arg3[%squeeze3A_34, %dma_start3A_227] : memref<128256x64xf32, #tpu.memory_space<hbm>> -> memref<1x64xf32, #tpu.memory_space<hbm>>
    tpu.enqueue_dma source(%dma_start3A_228 : memref<1x64xf32, #tpu.memory_space<hbm>>) target(%dma_start3A_226 : memref<1x64xf32, #tpu.memory_space<vmem>>) target_semaphore(%arg7 : memref<!tpu.dma_semaphore, #tpu.memory_space<semaphore_mem>>)
    %dma_start3A_229 = arith.constant 16 : i32
    %dma_start3A_230 = arith.constant 0 : i32
    %dma_start3A_231 = tpu.memref_slice %arg6[%dma_start3A_229, %dma_start3A_230] : memref<32x64xf32, #tpu.memory_space<vmem>> -> memref<1x64xf32, #tpu.memory_space<vmem>>
    %dma_start3A_232 = arith.constant 0 : i32
    %dma_start3A_233 = tpu.memref_slice %arg3[%squeeze3A_39, %dma_start3A_232] : memref<128256x64xf32, #tpu.memory_space<hbm>> -> memref<1x64xf32, #tpu.memory_space<hbm>>
    %dma_start3A_234 = arith.constant 16 : i32
    %dma_start3A_235 = arith.constant 0 : i32
    %dma_start3A_236 = tpu.memref_slice %arg6[%dma_start3A_234, %dma_start3A_235] : memref<32x64xf32, #tpu.memory_space<vmem>> -> memref<1x64xf32, #tpu.memory_space<vmem>>
    %dma_start3A_237 = arith.constant 0 : i32
    %dma_start3A_238 = tpu.memref_slice %arg3[%squeeze3A_39, %dma_start3A_237] : memref<128256x64xf32, #tpu.memory_space<hbm>> -> memref<1x64xf32, #tpu.memory_space<hbm>>
    tpu.enqueue_dma source(%dma_start3A_238 : memref<1x64xf32, #tpu.memory_space<hbm>>) target(%dma_start3A_236 : memref<1x64xf32, #tpu.memory_space<vmem>>) target_semaphore(%arg7 : memref<!tpu.dma_semaphore, #tpu.memory_space<semaphore_mem>>)
    %dma_start3A_239 = arith.constant 17 : i32
    %dma_start3A_240 = arith.constant 0 : i32
    %dma_start3A_241 = tpu.memref_slice %arg6[%dma_start3A_239, %dma_start3A_240] : memref<32x64xf32, #tpu.memory_space<vmem>> -> memref<1x64xf32, #tpu.memory_space<vmem>>
    %dma_start3A_242 = arith.constant 0 : i32
    %dma_start3A_243 = tpu.memref_slice %arg3[%squeeze3A_41, %dma_start3A_242] : memref<128256x64xf32, #tpu.memory_space<hbm>> -> memref<1x64xf32, #tpu.memory_space<hbm>>
    %dma_start3A_244 = arith.constant 17 : i32
    %dma_start3A_245 = arith.constant 0 : i32
    %dma_start3A_246 = tpu.memref_slice %arg6[%dma_start3A_244, %dma_start3A_245] : memref<32x64xf32, #tpu.memory_space<vmem>> -> memref<1x64xf32, #tpu.memory_space<vmem>>
    %dma_start3A_247 = arith.constant 0 : i32
    %dma_start3A_248 = tpu.memref_slice %arg3[%squeeze3A_41, %dma_start3A_247] : memref<128256x64xf32, #tpu.memory_space<hbm>> -> memref<1x64xf32, #tpu.memory_space<hbm>>
    tpu.enqueue_dma source(%dma_start3A_248 : memref<1x64xf32, #tpu.memory_space<hbm>>) target(%dma_start3A_246 : memref<1x64xf32, #tpu.memory_space<vmem>>) target_semaphore(%arg7 : memref<!tpu.dma_semaphore, #tpu.memory_space<semaphore_mem>>)
    %dma_start3A_249 = arith.constant 18 : i32
    %dma_start3A_250 = arith.constant 0 : i32
    %dma_start3A_251 = tpu.memref_slice %arg6[%dma_start3A_249, %dma_start3A_250] : memref<32x64xf32, #tpu.memory_space<vmem>> -> memref<1x64xf32, #tpu.memory_space<vmem>>
    %dma_start3A_252 = arith.constant 0 : i32
    %dma_start3A_253 = tpu.memref_slice %arg3[%squeeze3A_43, %dma_start3A_252] : memref<128256x64xf32, #tpu.memory_space<hbm>> -> memref<1x64xf32, #tpu.memory_space<hbm>>
    %dma_start3A_254 = arith.constant 18 : i32
    %dma_start3A_255 = arith.constant 0 : i32
    %dma_start3A_256 = tpu.memref_slice %arg6[%dma_start3A_254, %dma_start3A_255] : memref<32x64xf32, #tpu.memory_space<vmem>> -> memref<1x64xf32, #tpu.memory_space<vmem>>
    %dma_start3A_257 = arith.constant 0 : i32
    %dma_start3A_258 = tpu.memref_slice %arg3[%squeeze3A_43, %dma_start3A_257] : memref<128256x64xf32, #tpu.memory_space<hbm>> -> memref<1x64xf32, #tpu.memory_space<hbm>>
    tpu.enqueue_dma source(%dma_start3A_258 : memref<1x64xf32, #tpu.memory_space<hbm>>) target(%dma_start3A_256 : memref<1x64xf32, #tpu.memory_space<vmem>>) target_semaphore(%arg7 : memref<!tpu.dma_semaphore, #tpu.memory_space<semaphore_mem>>)
    %dma_start3A_259 = arith.constant 19 : i32
    %dma_start3A_260 = arith.constant 0 : i32
    %dma_start3A_261 = tpu.memref_slice %arg6[%dma_start3A_259, %dma_start3A_260] : memref<32x64xf32, #tpu.memory_space<vmem>> -> memref<1x64xf32, #tpu.memory_space<vmem>>
    %dma_start3A_262 = arith.constant 0 : i32
    %dma_start3A_263 = tpu.memref_slice %arg3[%squeeze3A_45, %dma_start3A_262] : memref<128256x64xf32, #tpu.memory_space<hbm>> -> memref<1x64xf32, #tpu.memory_space<hbm>>
    %dma_start3A_264 = arith.constant 19 : i32
    %dma_start3A_265 = arith.constant 0 : i32
    %dma_start3A_266 = tpu.memref_slice %arg6[%dma_start3A_264, %dma_start3A_265] : memref<32x64xf32, #tpu.memory_space<vmem>> -> memref<1x64xf32, #tpu.memory_space<vmem>>
    %dma_start3A_267 = arith.constant 0 : i32
    %dma_start3A_268 = tpu.memref_slice %arg3[%squeeze3A_45, %dma_start3A_267] : memref<128256x64xf32, #tpu.memory_space<hbm>> -> memref<1x64xf32, #tpu.memory_space<hbm>>
    tpu.enqueue_dma source(%dma_start3A_268 : memref<1x64xf32, #tpu.memory_space<hbm>>) target(%dma_start3A_266 : memref<1x64xf32, #tpu.memory_space<vmem>>) target_semaphore(%arg7 : memref<!tpu.dma_semaphore, #tpu.memory_space<semaphore_mem>>)
    %dma_start3A_269 = arith.constant 20 : i32
    %dma_start3A_270 = arith.constant 0 : i32
    %dma_start3A_271 = tpu.memref_slice %arg6[%dma_start3A_269, %dma_start3A_270] : memref<32x64xf32, #tpu.memory_space<vmem>> -> memref<1x64xf32, #tpu.memory_space<vmem>>
    %dma_start3A_272 = arith.constant 0 : i32
    %dma_start3A_273 = tpu.memref_slice %arg3[%squeeze3A_47, %dma_start3A_272] : memref<128256x64xf32, #tpu.memory_space<hbm>> -> memref<1x64xf32, #tpu.memory_space<hbm>>
    %dma_start3A_274 = arith.constant 20 : i32
    %dma_start3A_275 = arith.constant 0 : i32
    %dma_start3A_276 = tpu.memref_slice %arg6[%dma_start3A_274, %dma_start3A_275] : memref<32x64xf32, #tpu.memory_space<vmem>> -> memref<1x64xf32, #tpu.memory_space<vmem>>
    %dma_start3A_277 = arith.constant 0 : i32
    %dma_start3A_278 = tpu.memref_slice %arg3[%squeeze3A_47, %dma_start3A_277] : memref<128256x64xf32, #tpu.memory_space<hbm>> -> memref<1x64xf32, #tpu.memory_space<hbm>>
    tpu.enqueue_dma source(%dma_start3A_278 : memref<1x64xf32, #tpu.memory_space<hbm>>) target(%dma_start3A_276 : memref<1x64xf32, #tpu.memory_space<vmem>>) target_semaphore(%arg7 : memref<!tpu.dma_semaphore, #tpu.memory_space<semaphore_mem>>)
    %dma_start3A_279 = arith.constant 21 : i32
    %dma_start3A_280 = arith.constant 0 : i32
    %dma_start3A_281 = tpu.memref_slice %arg6[%dma_start3A_279, %dma_start3A_280] : memref<32x64xf32, #tpu.memory_space<vmem>> -> memref<1x64xf32, #tpu.memory_space<vmem>>
    %dma_start3A_282 = arith.constant 0 : i32
    %dma_start3A_283 = tpu.memref_slice %arg3[%squeeze3A_49, %dma_start3A_282] : memref<128256x64xf32, #tpu.memory_space<hbm>> -> memref<1x64xf32, #tpu.memory_space<hbm>>
    %dma_start3A_284 = arith.constant 21 : i32
    %dma_start3A_285 = arith.constant 0 : i32
    %dma_start3A_286 = tpu.memref_slice %arg6[%dma_start3A_284, %dma_start3A_285] : memref<32x64xf32, #tpu.memory_space<vmem>> -> memref<1x64xf32, #tpu.memory_space<vmem>>
    %dma_start3A_287 = arith.constant 0 : i32
    %dma_start3A_288 = tpu.memref_slice %arg3[%squeeze3A_49, %dma_start3A_287] : memref<128256x64xf32, #tpu.memory_space<hbm>> -> memref<1x64xf32, #tpu.memory_space<hbm>>
    tpu.enqueue_dma source(%dma_start3A_288 : memref<1x64xf32, #tpu.memory_space<hbm>>) target(%dma_start3A_286 : memref<1x64xf32, #tpu.memory_space<vmem>>) target_semaphore(%arg7 : memref<!tpu.dma_semaphore, #tpu.memory_space<semaphore_mem>>)
    %dma_start3A_289 = arith.constant 22 : i32
    %dma_start3A_290 = arith.constant 0 : i32
    %dma_start3A_291 = tpu.memref_slice %arg6[%dma_start3A_289, %dma_start3A_290] : memref<32x64xf32, #tpu.memory_space<vmem>> -> memref<1x64xf32, #tpu.memory_space<vmem>>
    %dma_start3A_292 = arith.constant 0 : i32
    %dma_start3A_293 = tpu.memref_slice %arg3[%squeeze3A_51, %dma_start3A_292] : memref<128256x64xf32, #tpu.memory_space<hbm>> -> memref<1x64xf32, #tpu.memory_space<hbm>>
    %dma_start3A_294 = arith.constant 22 : i32
    %dma_start3A_295 = arith.constant 0 : i32
    %dma_start3A_296 = tpu.memref_slice %arg6[%dma_start3A_294, %dma_start3A_295] : memref<32x64xf32, #tpu.memory_space<vmem>> -> memref<1x64xf32, #tpu.memory_space<vmem>>
    %dma_start3A_297 = arith.constant 0 : i32
    %dma_start3A_298 = tpu.memref_slice %arg3[%squeeze3A_51, %dma_start3A_297] : memref<128256x64xf32, #tpu.memory_space<hbm>> -> memref<1x64xf32, #tpu.memory_space<hbm>>
    tpu.enqueue_dma source(%dma_start3A_298 : memref<1x64xf32, #tpu.memory_space<hbm>>) target(%dma_start3A_296 : memref<1x64xf32, #tpu.memory_space<vmem>>) target_semaphore(%arg7 : memref<!tpu.dma_semaphore, #tpu.memory_space<semaphore_mem>>)
    %dma_start3A_299 = arith.constant 23 : i32
    %dma_start3A_300 = arith.constant 0 : i32
    %dma_start3A_301 = tpu.memref_slice %arg6[%dma_start3A_299, %dma_start3A_300] : memref<32x64xf32, #tpu.memory_space<vmem>> -> memref<1x64xf32, #tpu.memory_space<vmem>>
    %dma_start3A_302 = arith.constant 0 : i32
    %dma_start3A_303 = tpu.memref_slice %arg3[%squeeze3A_53, %dma_start3A_302] : memref<128256x64xf32, #tpu.memory_space<hbm>> -> memref<1x64xf32, #tpu.memory_space<hbm>>
    %dma_start3A_304 = arith.constant 23 : i32
    %dma_start3A_305 = arith.constant 0 : i32
    %dma_start3A_306 = tpu.memref_slice %arg6[%dma_start3A_304, %dma_start3A_305] : memref<32x64xf32, #tpu.memory_space<vmem>> -> memref<1x64xf32, #tpu.memory_space<vmem>>
    %dma_start3A_307 = arith.constant 0 : i32
    %dma_start3A_308 = tpu.memref_slice %arg3[%squeeze3A_53, %dma_start3A_307] : memref<128256x64xf32, #tpu.memory_space<hbm>> -> memref<1x64xf32, #tpu.memory_space<hbm>>
    tpu.enqueue_dma source(%dma_start3A_308 : memref<1x64xf32, #tpu.memory_space<hbm>>) target(%dma_start3A_306 : memref<1x64xf32, #tpu.memory_space<vmem>>) target_semaphore(%arg7 : memref<!tpu.dma_semaphore, #tpu.memory_space<semaphore_mem>>)
    %dma_start3A_309 = arith.constant 24 : i32
    %dma_start3A_310 = arith.constant 0 : i32
    %dma_start3A_311 = tpu.memref_slice %arg6[%dma_start3A_309, %dma_start3A_310] : memref<32x64xf32, #tpu.memory_space<vmem>> -> memref<1x64xf32, #tpu.memory_space<vmem>>
    %dma_start3A_312 = arith.constant 0 : i32
    %dma_start3A_313 = tpu.memref_slice %arg3[%squeeze3A_55, %dma_start3A_312] : memref<128256x64xf32, #tpu.memory_space<hbm>> -> memref<1x64xf32, #tpu.memory_space<hbm>>
    %dma_start3A_314 = arith.constant 24 : i32
    %dma_start3A_315 = arith.constant 0 : i32
    %dma_start3A_316 = tpu.memref_slice %arg6[%dma_start3A_314, %dma_start3A_315] : memref<32x64xf32, #tpu.memory_space<vmem>> -> memref<1x64xf32, #tpu.memory_space<vmem>>
    %dma_start3A_317 = arith.constant 0 : i32
    %dma_start3A_318 = tpu.memref_slice %arg3[%squeeze3A_55, %dma_start3A_317] : memref<128256x64xf32, #tpu.memory_space<hbm>> -> memref<1x64xf32, #tpu.memory_space<hbm>>
    tpu.enqueue_dma source(%dma_start3A_318 : memref<1x64xf32, #tpu.memory_space<hbm>>) target(%dma_start3A_316 : memref<1x64xf32, #tpu.memory_space<vmem>>) target_semaphore(%arg7 : memref<!tpu.dma_semaphore, #tpu.memory_space<semaphore_mem>>)
    %dma_start3A_319 = arith.constant 25 : i32
    %dma_start3A_320 = arith.constant 0 : i32
    %dma_start3A_321 = tpu.memref_slice %arg6[%dma_start3A_319, %dma_start3A_320] : memref<32x64xf32, #tpu.memory_space<vmem>> -> memref<1x64xf32, #tpu.memory_space<vmem>>
    %dma_start3A_322 = arith.constant 0 : i32
    %dma_start3A_323 = tpu.memref_slice %arg3[%squeeze3A_57, %dma_start3A_322] : memref<128256x64xf32, #tpu.memory_space<hbm>> -> memref<1x64xf32, #tpu.memory_space<hbm>>
    %dma_start3A_324 = arith.constant 25 : i32
    %dma_start3A_325 = arith.constant 0 : i32
    %dma_start3A_326 = tpu.memref_slice %arg6[%dma_start3A_324, %dma_start3A_325] : memref<32x64xf32, #tpu.memory_space<vmem>> -> memref<1x64xf32, #tpu.memory_space<vmem>>
    %dma_start3A_327 = arith.constant 0 : i32
    %dma_start3A_328 = tpu.memref_slice %arg3[%squeeze3A_57, %dma_start3A_327] : memref<128256x64xf32, #tpu.memory_space<hbm>> -> memref<1x64xf32, #tpu.memory_space<hbm>>
    tpu.enqueue_dma source(%dma_start3A_328 : memref<1x64xf32, #tpu.memory_space<hbm>>) target(%dma_start3A_326 : memref<1x64xf32, #tpu.memory_space<vmem>>) target_semaphore(%arg7 : memref<!tpu.dma_semaphore, #tpu.memory_space<semaphore_mem>>)
    %dma_start3A_329 = arith.constant 26 : i32
    %dma_start3A_330 = arith.constant 0 : i32
    %dma_start3A_331 = tpu.memref_slice %arg6[%dma_start3A_329, %dma_start3A_330] : memref<32x64xf32, #tpu.memory_space<vmem>> -> memref<1x64xf32, #tpu.memory_space<vmem>>
    %dma_start3A_332 = arith.constant 0 : i32
    %dma_start3A_333 = tpu.memref_slice %arg3[%squeeze3A_59, %dma_start3A_332] : memref<128256x64xf32, #tpu.memory_space<hbm>> -> memref<1x64xf32, #tpu.memory_space<hbm>>
    %dma_start3A_334 = arith.constant 26 : i32
    %dma_start3A_335 = arith.constant 0 : i32
    %dma_start3A_336 = tpu.memref_slice %arg6[%dma_start3A_334, %dma_start3A_335] : memref<32x64xf32, #tpu.memory_space<vmem>> -> memref<1x64xf32, #tpu.memory_space<vmem>>
    %dma_start3A_337 = arith.constant 0 : i32
    %dma_start3A_338 = tpu.memref_slice %arg3[%squeeze3A_59, %dma_start3A_337] : memref<128256x64xf32, #tpu.memory_space<hbm>> -> memref<1x64xf32, #tpu.memory_space<hbm>>
    tpu.enqueue_dma source(%dma_start3A_338 : memref<1x64xf32, #tpu.memory_space<hbm>>) target(%dma_start3A_336 : memref<1x64xf32, #tpu.memory_space<vmem>>) target_semaphore(%arg7 : memref<!tpu.dma_semaphore, #tpu.memory_space<semaphore_mem>>)
    %dma_start3A_339 = arith.constant 27 : i32
    %dma_start3A_340 = arith.constant 0 : i32
    %dma_start3A_341 = tpu.memref_slice %arg6[%dma_start3A_339, %dma_start3A_340] : memref<32x64xf32, #tpu.memory_space<vmem>> -> memref<1x64xf32, #tpu.memory_space<vmem>>
    %dma_start3A_342 = arith.constant 0 : i32
    %dma_start3A_343 = tpu.memref_slice %arg3[%squeeze3A_61, %dma_start3A_342] : memref<128256x64xf32, #tpu.memory_space<hbm>> -> memref<1x64xf32, #tpu.memory_space<hbm>>
    %dma_start3A_344 = arith.constant 27 : i32
    %dma_start3A_345 = arith.constant 0 : i32
    %dma_start3A_346 = tpu.memref_slice %arg6[%dma_start3A_344, %dma_start3A_345] : memref<32x64xf32, #tpu.memory_space<vmem>> -> memref<1x64xf32, #tpu.memory_space<vmem>>
    %dma_start3A_347 = arith.constant 0 : i32
    %dma_start3A_348 = tpu.memref_slice %arg3[%squeeze3A_61, %dma_start3A_347] : memref<128256x64xf32, #tpu.memory_space<hbm>> -> memref<1x64xf32, #tpu.memory_space<hbm>>
    tpu.enqueue_dma source(%dma_start3A_348 : memref<1x64xf32, #tpu.memory_space<hbm>>) target(%dma_start3A_346 : memref<1x64xf32, #tpu.memory_space<vmem>>) target_semaphore(%arg7 : memref<!tpu.dma_semaphore, #tpu.memory_space<semaphore_mem>>)
    %dma_start3A_349 = arith.constant 28 : i32
    %dma_start3A_350 = arith.constant 0 : i32
    %dma_start3A_351 = tpu.memref_slice %arg6[%dma_start3A_349, %dma_start3A_350] : memref<32x64xf32, #tpu.memory_space<vmem>> -> memref<1x64xf32, #tpu.memory_space<vmem>>
    %dma_start3A_352 = arith.constant 0 : i32
    %dma_start3A_353 = tpu.memref_slice %arg3[%squeeze3A_63, %dma_start3A_352] : memref<128256x64xf32, #tpu.memory_space<hbm>> -> memref<1x64xf32, #tpu.memory_space<hbm>>
    %dma_start3A_354 = arith.constant 28 : i32
    %dma_start3A_355 = arith.constant 0 : i32
    %dma_start3A_356 = tpu.memref_slice %arg6[%dma_start3A_354, %dma_start3A_355] : memref<32x64xf32, #tpu.memory_space<vmem>> -> memref<1x64xf32, #tpu.memory_space<vmem>>
    %dma_start3A_357 = arith.constant 0 : i32
    %dma_start3A_358 = tpu.memref_slice %arg3[%squeeze3A_63, %dma_start3A_357] : memref<128256x64xf32, #tpu.memory_space<hbm>> -> memref<1x64xf32, #tpu.memory_space<hbm>>
    tpu.enqueue_dma source(%dma_start3A_358 : memref<1x64xf32, #tpu.memory_space<hbm>>) target(%dma_start3A_356 : memref<1x64xf32, #tpu.memory_space<vmem>>) target_semaphore(%arg7 : memref<!tpu.dma_semaphore, #tpu.memory_space<semaphore_mem>>)
    %dma_start3A_359 = arith.constant 29 : i32
    %dma_start3A_360 = arith.constant 0 : i32
    %dma_start3A_361 = tpu.memref_slice %arg6[%dma_start3A_359, %dma_start3A_360] : memref<32x64xf32, #tpu.memory_space<vmem>> -> memref<1x64xf32, #tpu.memory_space<vmem>>
    %dma_start3A_362 = arith.constant 0 : i32
    %dma_start3A_363 = tpu.memref_slice %arg3[%squeeze3A_65, %dma_start3A_362] : memref<128256x64xf32, #tpu.memory_space<hbm>> -> memref<1x64xf32, #tpu.memory_space<hbm>>
    %dma_start3A_364 = arith.constant 29 : i32
    %dma_start3A_365 = arith.constant 0 : i32
    %dma_start3A_366 = tpu.memref_slice %arg6[%dma_start3A_364, %dma_start3A_365] : memref<32x64xf32, #tpu.memory_space<vmem>> -> memref<1x64xf32, #tpu.memory_space<vmem>>
    %dma_start3A_367 = arith.constant 0 : i32
    %dma_start3A_368 = tpu.memref_slice %arg3[%squeeze3A_65, %dma_start3A_367] : memref<128256x64xf32, #tpu.memory_space<hbm>> -> memref<1x64xf32, #tpu.memory_space<hbm>>
    tpu.enqueue_dma source(%dma_start3A_368 : memref<1x64xf32, #tpu.memory_space<hbm>>) target(%dma_start3A_366 : memref<1x64xf32, #tpu.memory_space<vmem>>) target_semaphore(%arg7 : memref<!tpu.dma_semaphore, #tpu.memory_space<semaphore_mem>>)
    %dma_start3A_369 = arith.constant 30 : i32
    %dma_start3A_370 = arith.constant 0 : i32
    %dma_start3A_371 = tpu.memref_slice %arg6[%dma_start3A_369, %dma_start3A_370] : memref<32x64xf32, #tpu.memory_space<vmem>> -> memref<1x64xf32, #tpu.memory_space<vmem>>
    %dma_start3A_372 = arith.constant 0 : i32
    %dma_start3A_373 = tpu.memref_slice %arg3[%squeeze3A_67, %dma_start3A_372] : memref<128256x64xf32, #tpu.memory_space<hbm>> -> memref<1x64xf32, #tpu.memory_space<hbm>>
    %dma_start3A_374 = arith.constant 30 : i32
    %dma_start3A_375 = arith.constant 0 : i32
    %dma_start3A_376 = tpu.memref_slice %arg6[%dma_start3A_374, %dma_start3A_375] : memref<32x64xf32, #tpu.memory_space<vmem>> -> memref<1x64xf32, #tpu.memory_space<vmem>>
    %dma_start3A_377 = arith.constant 0 : i32
    %dma_start3A_378 = tpu.memref_slice %arg3[%squeeze3A_67, %dma_start3A_377] : memref<128256x64xf32, #tpu.memory_space<hbm>> -> memref<1x64xf32, #tpu.memory_space<hbm>>
    tpu.enqueue_dma source(%dma_start3A_378 : memref<1x64xf32, #tpu.memory_space<hbm>>) target(%dma_start3A_376 : memref<1x64xf32, #tpu.memory_space<vmem>>) target_semaphore(%arg7 : memref<!tpu.dma_semaphore, #tpu.memory_space<semaphore_mem>>)
    %dma_start3A_379 = arith.constant 31 : i32
    %dma_start3A_380 = arith.constant 0 : i32
    %dma_start3A_381 = tpu.memref_slice %arg6[%dma_start3A_379, %dma_start3A_380] : memref<32x64xf32, #tpu.memory_space<vmem>> -> memref<1x64xf32, #tpu.memory_space<vmem>>
    %dma_start3A_382 = arith.constant 0 : i32
    %dma_start3A_383 = tpu.memref_slice %arg3[%squeeze3A_69, %dma_start3A_382] : memref<128256x64xf32, #tpu.memory_space<hbm>> -> memref<1x64xf32, #tpu.memory_space<hbm>>
    %dma_start3A_384 = arith.constant 31 : i32
    %dma_start3A_385 = arith.constant 0 : i32
    %dma_start3A_386 = tpu.memref_slice %arg6[%dma_start3A_384, %dma_start3A_385] : memref<32x64xf32, #tpu.memory_space<vmem>> -> memref<1x64xf32, #tpu.memory_space<vmem>>
    %dma_start3A_387 = arith.constant 0 : i32
    %dma_start3A_388 = tpu.memref_slice %arg3[%squeeze3A_69, %dma_start3A_387] : memref<128256x64xf32, #tpu.memory_space<hbm>> -> memref<1x64xf32, #tpu.memory_space<hbm>>
    tpu.enqueue_dma source(%dma_start3A_388 : memref<1x64xf32, #tpu.memory_space<hbm>>) target(%dma_start3A_386 : memref<1x64xf32, #tpu.memory_space<vmem>>) target_semaphore(%arg7 : memref<!tpu.dma_semaphore, #tpu.memory_space<semaphore_mem>>)
    %dma_wait3A = arith.constant 0 : i32
    %dma_wait3A_389 = arith.constant 0 : i32
    %dma_wait3A_390 = tpu.memref_slice %arg6[%dma_wait3A, %dma_wait3A_389] : memref<32x64xf32, #tpu.memory_space<vmem>> -> memref<1x64xf32, #tpu.memory_space<vmem>>
    %dma_wait3A_391 = arith.constant 0 : i32
    %dma_wait3A_392 = tpu.memref_slice %arg3[%squeeze3A, %dma_wait3A_391] : memref<128256x64xf32, #tpu.memory_space<hbm>> -> memref<1x64xf32, #tpu.memory_space<hbm>>
    %dma_wait3A_393 = arith.constant 0 : i32
    %dma_wait3A_394 = arith.constant 0 : i32
    %dma_wait3A_395 = tpu.memref_slice %arg6[%dma_wait3A_393, %dma_wait3A_394] : memref<32x64xf32, #tpu.memory_space<vmem>> -> memref<1x64xf32, #tpu.memory_space<vmem>>
    %dma_wait3A_396 = arith.constant 0 : i32
    %dma_wait3A_397 = tpu.memref_slice %arg3[%squeeze3A, %dma_wait3A_396] : memref<128256x64xf32, #tpu.memory_space<hbm>> -> memref<1x64xf32, #tpu.memory_space<hbm>>
    tpu.wait_dma2 semaphore(%arg7 : memref<!tpu.dma_semaphore, #tpu.memory_space<semaphore_mem>>) src(%dma_wait3A_397 : memref<1x64xf32, #tpu.memory_space<hbm>>) dst(%dma_wait3A_395 : memref<1x64xf32, #tpu.memory_space<vmem>>)
    %dma_wait3A_398 = arith.constant 1 : i32
    %dma_wait3A_399 = arith.constant 0 : i32
    %dma_wait3A_400 = tpu.memref_slice %arg6[%dma_wait3A_398, %dma_wait3A_399] : memref<32x64xf32, #tpu.memory_space<vmem>> -> memref<1x64xf32, #tpu.memory_space<vmem>>
    %dma_wait3A_401 = arith.constant 0 : i32
    %dma_wait3A_402 = tpu.memref_slice %arg3[%squeeze3A_6, %dma_wait3A_401] : memref<128256x64xf32, #tpu.memory_space<hbm>> -> memref<1x64xf32, #tpu.memory_space<hbm>>
    %dma_wait3A_403 = arith.constant 1 : i32
    %dma_wait3A_404 = arith.constant 0 : i32
    %dma_wait3A_405 = tpu.memref_slice %arg6[%dma_wait3A_403, %dma_wait3A_404] : memref<32x64xf32, #tpu.memory_space<vmem>> -> memref<1x64xf32, #tpu.memory_space<vmem>>
    %dma_wait3A_406 = arith.constant 0 : i32
    %dma_wait3A_407 = tpu.memref_slice %arg3[%squeeze3A_6, %dma_wait3A_406] : memref<128256x64xf32, #tpu.memory_space<hbm>> -> memref<1x64xf32, #tpu.memory_space<hbm>>
    tpu.wait_dma2 semaphore(%arg7 : memref<!tpu.dma_semaphore, #tpu.memory_space<semaphore_mem>>) src(%dma_wait3A_407 : memref<1x64xf32, #tpu.memory_space<hbm>>) dst(%dma_wait3A_405 : memref<1x64xf32, #tpu.memory_space<vmem>>)
    %dma_wait3A_408 = arith.constant 2 : i32
    %dma_wait3A_409 = arith.constant 0 : i32
    %dma_wait3A_410 = tpu.memref_slice %arg6[%dma_wait3A_408, %dma_wait3A_409] : memref<32x64xf32, #tpu.memory_space<vmem>> -> memref<1x64xf32, #tpu.memory_space<vmem>>
    %dma_wait3A_411 = arith.constant 0 : i32
    %dma_wait3A_412 = tpu.memref_slice %arg3[%squeeze3A_8, %dma_wait3A_411] : memref<128256x64xf32, #tpu.memory_space<hbm>> -> memref<1x64xf32, #tpu.memory_space<hbm>>
    %dma_wait3A_413 = arith.constant 2 : i32
    %dma_wait3A_414 = arith.constant 0 : i32
    %dma_wait3A_415 = tpu.memref_slice %arg6[%dma_wait3A_413, %dma_wait3A_414] : memref<32x64xf32, #tpu.memory_space<vmem>> -> memref<1x64xf32, #tpu.memory_space<vmem>>
    %dma_wait3A_416 = arith.constant 0 : i32
    %dma_wait3A_417 = tpu.memref_slice %arg3[%squeeze3A_8, %dma_wait3A_416] : memref<128256x64xf32, #tpu.memory_space<hbm>> -> memref<1x64xf32, #tpu.memory_space<hbm>>
    tpu.wait_dma2 semaphore(%arg7 : memref<!tpu.dma_semaphore, #tpu.memory_space<semaphore_mem>>) src(%dma_wait3A_417 : memref<1x64xf32, #tpu.memory_space<hbm>>) dst(%dma_wait3A_415 : memref<1x64xf32, #tpu.memory_space<vmem>>)
    %dma_wait3A_418 = arith.constant 3 : i32
    %dma_wait3A_419 = arith.constant 0 : i32
    %dma_wait3A_420 = tpu.memref_slice %arg6[%dma_wait3A_418, %dma_wait3A_419] : memref<32x64xf32, #tpu.memory_space<vmem>> -> memref<1x64xf32, #tpu.memory_space<vmem>>
    %dma_wait3A_421 = arith.constant 0 : i32
    %dma_wait3A_422 = tpu.memref_slice %arg3[%squeeze3A_10, %dma_wait3A_421] : memref<128256x64xf32, #tpu.memory_space<hbm>> -> memref<1x64xf32, #tpu.memory_space<hbm>>
    %dma_wait3A_423 = arith.constant 3 : i32
    %dma_wait3A_424 = arith.constant 0 : i32
    %dma_wait3A_425 = tpu.memref_slice %arg6[%dma_wait3A_423, %dma_wait3A_424] : memref<32x64xf32, #tpu.memory_space<vmem>> -> memref<1x64xf32, #tpu.memory_space<vmem>>
    %dma_wait3A_426 = arith.constant 0 : i32
    %dma_wait3A_427 = tpu.memref_slice %arg3[%squeeze3A_10, %dma_wait3A_426] : memref<128256x64xf32, #tpu.memory_space<hbm>> -> memref<1x64xf32, #tpu.memory_space<hbm>>
    tpu.wait_dma2 semaphore(%arg7 : memref<!tpu.dma_semaphore, #tpu.memory_space<semaphore_mem>>) src(%dma_wait3A_427 : memref<1x64xf32, #tpu.memory_space<hbm>>) dst(%dma_wait3A_425 : memref<1x64xf32, #tpu.memory_space<vmem>>)
    %dma_wait3A_428 = arith.constant 4 : i32
    %dma_wait3A_429 = arith.constant 0 : i32
    %dma_wait3A_430 = tpu.memref_slice %arg6[%dma_wait3A_428, %dma_wait3A_429] : memref<32x64xf32, #tpu.memory_space<vmem>> -> memref<1x64xf32, #tpu.memory_space<vmem>>
    %dma_wait3A_431 = arith.constant 0 : i32
    %dma_wait3A_432 = tpu.memref_slice %arg3[%squeeze3A_12, %dma_wait3A_431] : memref<128256x64xf32, #tpu.memory_space<hbm>> -> memref<1x64xf32, #tpu.memory_space<hbm>>
    %dma_wait3A_433 = arith.constant 4 : i32
    %dma_wait3A_434 = arith.constant 0 : i32
    %dma_wait3A_435 = tpu.memref_slice %arg6[%dma_wait3A_433, %dma_wait3A_434] : memref<32x64xf32, #tpu.memory_space<vmem>> -> memref<1x64xf32, #tpu.memory_space<vmem>>
    %dma_wait3A_436 = arith.constant 0 : i32
    %dma_wait3A_437 = tpu.memref_slice %arg3[%squeeze3A_12, %dma_wait3A_436] : memref<128256x64xf32, #tpu.memory_space<hbm>> -> memref<1x64xf32, #tpu.memory_space<hbm>>
    tpu.wait_dma2 semaphore(%arg7 : memref<!tpu.dma_semaphore, #tpu.memory_space<semaphore_mem>>) src(%dma_wait3A_437 : memref<1x64xf32, #tpu.memory_space<hbm>>) dst(%dma_wait3A_435 : memref<1x64xf32, #tpu.memory_space<vmem>>)
    %dma_wait3A_438 = arith.constant 5 : i32
    %dma_wait3A_439 = arith.constant 0 : i32
    %dma_wait3A_440 = tpu.memref_slice %arg6[%dma_wait3A_438, %dma_wait3A_439] : memref<32x64xf32, #tpu.memory_space<vmem>> -> memref<1x64xf32, #tpu.memory_space<vmem>>
    %dma_wait3A_441 = arith.constant 0 : i32
    %dma_wait3A_442 = tpu.memref_slice %arg3[%squeeze3A_14, %dma_wait3A_441] : memref<128256x64xf32, #tpu.memory_space<hbm>> -> memref<1x64xf32, #tpu.memory_space<hbm>>
    %dma_wait3A_443 = arith.constant 5 : i32
    %dma_wait3A_444 = arith.constant 0 : i32
    %dma_wait3A_445 = tpu.memref_slice %arg6[%dma_wait3A_443, %dma_wait3A_444] : memref<32x64xf32, #tpu.memory_space<vmem>> -> memref<1x64xf32, #tpu.memory_space<vmem>>
    %dma_wait3A_446 = arith.constant 0 : i32
    %dma_wait3A_447 = tpu.memref_slice %arg3[%squeeze3A_14, %dma_wait3A_446] : memref<128256x64xf32, #tpu.memory_space<hbm>> -> memref<1x64xf32, #tpu.memory_space<hbm>>
    tpu.wait_dma2 semaphore(%arg7 : memref<!tpu.dma_semaphore, #tpu.memory_space<semaphore_mem>>) src(%dma_wait3A_447 : memref<1x64xf32, #tpu.memory_space<hbm>>) dst(%dma_wait3A_445 : memref<1x64xf32, #tpu.memory_space<vmem>>)
    %dma_wait3A_448 = arith.constant 6 : i32
    %dma_wait3A_449 = arith.constant 0 : i32
    %dma_wait3A_450 = tpu.memref_slice %arg6[%dma_wait3A_448, %dma_wait3A_449] : memref<32x64xf32, #tpu.memory_space<vmem>> -> memref<1x64xf32, #tpu.memory_space<vmem>>
    %dma_wait3A_451 = arith.constant 0 : i32
    %dma_wait3A_452 = tpu.memref_slice %arg3[%squeeze3A_16, %dma_wait3A_451] : memref<128256x64xf32, #tpu.memory_space<hbm>> -> memref<1x64xf32, #tpu.memory_space<hbm>>
    %dma_wait3A_453 = arith.constant 6 : i32
    %dma_wait3A_454 = arith.constant 0 : i32
    %dma_wait3A_455 = tpu.memref_slice %arg6[%dma_wait3A_453, %dma_wait3A_454] : memref<32x64xf32, #tpu.memory_space<vmem>> -> memref<1x64xf32, #tpu.memory_space<vmem>>
    %dma_wait3A_456 = arith.constant 0 : i32
    %dma_wait3A_457 = tpu.memref_slice %arg3[%squeeze3A_16, %dma_wait3A_456] : memref<128256x64xf32, #tpu.memory_space<hbm>> -> memref<1x64xf32, #tpu.memory_space<hbm>>
    tpu.wait_dma2 semaphore(%arg7 : memref<!tpu.dma_semaphore, #tpu.memory_space<semaphore_mem>>) src(%dma_wait3A_457 : memref<1x64xf32, #tpu.memory_space<hbm>>) dst(%dma_wait3A_455 : memref<1x64xf32, #tpu.memory_space<vmem>>)
    %dma_wait3A_458 = arith.constant 7 : i32
    %dma_wait3A_459 = arith.constant 0 : i32
    %dma_wait3A_460 = tpu.memref_slice %arg6[%dma_wait3A_458, %dma_wait3A_459] : memref<32x64xf32, #tpu.memory_space<vmem>> -> memref<1x64xf32, #tpu.memory_space<vmem>>
    %dma_wait3A_461 = arith.constant 0 : i32
    %dma_wait3A_462 = tpu.memref_slice %arg3[%squeeze3A_18, %dma_wait3A_461] : memref<128256x64xf32, #tpu.memory_space<hbm>> -> memref<1x64xf32, #tpu.memory_space<hbm>>
    %dma_wait3A_463 = arith.constant 7 : i32
    %dma_wait3A_464 = arith.constant 0 : i32
    %dma_wait3A_465 = tpu.memref_slice %arg6[%dma_wait3A_463, %dma_wait3A_464] : memref<32x64xf32, #tpu.memory_space<vmem>> -> memref<1x64xf32, #tpu.memory_space<vmem>>
    %dma_wait3A_466 = arith.constant 0 : i32
    %dma_wait3A_467 = tpu.memref_slice %arg3[%squeeze3A_18, %dma_wait3A_466] : memref<128256x64xf32, #tpu.memory_space<hbm>> -> memref<1x64xf32, #tpu.memory_space<hbm>>
    tpu.wait_dma2 semaphore(%arg7 : memref<!tpu.dma_semaphore, #tpu.memory_space<semaphore_mem>>) src(%dma_wait3A_467 : memref<1x64xf32, #tpu.memory_space<hbm>>) dst(%dma_wait3A_465 : memref<1x64xf32, #tpu.memory_space<vmem>>)
    %dma_wait3A_468 = arith.constant 8 : i32
    %dma_wait3A_469 = arith.constant 0 : i32
    %dma_wait3A_470 = tpu.memref_slice %arg6[%dma_wait3A_468, %dma_wait3A_469] : memref<32x64xf32, #tpu.memory_space<vmem>> -> memref<1x64xf32, #tpu.memory_space<vmem>>
    %dma_wait3A_471 = arith.constant 0 : i32
    %dma_wait3A_472 = tpu.memref_slice %arg3[%squeeze3A_20, %dma_wait3A_471] : memref<128256x64xf32, #tpu.memory_space<hbm>> -> memref<1x64xf32, #tpu.memory_space<hbm>>
    %dma_wait3A_473 = arith.constant 8 : i32
    %dma_wait3A_474 = arith.constant 0 : i32
    %dma_wait3A_475 = tpu.memref_slice %arg6[%dma_wait3A_473, %dma_wait3A_474] : memref<32x64xf32, #tpu.memory_space<vmem>> -> memref<1x64xf32, #tpu.memory_space<vmem>>
    %dma_wait3A_476 = arith.constant 0 : i32
    %dma_wait3A_477 = tpu.memref_slice %arg3[%squeeze3A_20, %dma_wait3A_476] : memref<128256x64xf32, #tpu.memory_space<hbm>> -> memref<1x64xf32, #tpu.memory_space<hbm>>
    tpu.wait_dma2 semaphore(%arg7 : memref<!tpu.dma_semaphore, #tpu.memory_space<semaphore_mem>>) src(%dma_wait3A_477 : memref<1x64xf32, #tpu.memory_space<hbm>>) dst(%dma_wait3A_475 : memref<1x64xf32, #tpu.memory_space<vmem>>)
    %dma_wait3A_478 = arith.constant 9 : i32
    %dma_wait3A_479 = arith.constant 0 : i32
    %dma_wait3A_480 = tpu.memref_slice %arg6[%dma_wait3A_478, %dma_wait3A_479] : memref<32x64xf32, #tpu.memory_space<vmem>> -> memref<1x64xf32, #tpu.memory_space<vmem>>
    %dma_wait3A_481 = arith.constant 0 : i32
    %dma_wait3A_482 = tpu.memref_slice %arg3[%squeeze3A_22, %dma_wait3A_481] : memref<128256x64xf32, #tpu.memory_space<hbm>> -> memref<1x64xf32, #tpu.memory_space<hbm>>
    %dma_wait3A_483 = arith.constant 9 : i32
    %dma_wait3A_484 = arith.constant 0 : i32
    %dma_wait3A_485 = tpu.memref_slice %arg6[%dma_wait3A_483, %dma_wait3A_484] : memref<32x64xf32, #tpu.memory_space<vmem>> -> memref<1x64xf32, #tpu.memory_space<vmem>>
    %dma_wait3A_486 = arith.constant 0 : i32
    %dma_wait3A_487 = tpu.memref_slice %arg3[%squeeze3A_22, %dma_wait3A_486] : memref<128256x64xf32, #tpu.memory_space<hbm>> -> memref<1x64xf32, #tpu.memory_space<hbm>>
    tpu.wait_dma2 semaphore(%arg7 : memref<!tpu.dma_semaphore, #tpu.memory_space<semaphore_mem>>) src(%dma_wait3A_487 : memref<1x64xf32, #tpu.memory_space<hbm>>) dst(%dma_wait3A_485 : memref<1x64xf32, #tpu.memory_space<vmem>>)
    %dma_wait3A_488 = arith.constant 10 : i32
    %dma_wait3A_489 = arith.constant 0 : i32
    %dma_wait3A_490 = tpu.memref_slice %arg6[%dma_wait3A_488, %dma_wait3A_489] : memref<32x64xf32, #tpu.memory_space<vmem>> -> memref<1x64xf32, #tpu.memory_space<vmem>>
    %dma_wait3A_491 = arith.constant 0 : i32
    %dma_wait3A_492 = tpu.memref_slice %arg3[%squeeze3A_24, %dma_wait3A_491] : memref<128256x64xf32, #tpu.memory_space<hbm>> -> memref<1x64xf32, #tpu.memory_space<hbm>>
    %dma_wait3A_493 = arith.constant 10 : i32
    %dma_wait3A_494 = arith.constant 0 : i32
    %dma_wait3A_495 = tpu.memref_slice %arg6[%dma_wait3A_493, %dma_wait3A_494] : memref<32x64xf32, #tpu.memory_space<vmem>> -> memref<1x64xf32, #tpu.memory_space<vmem>>
    %dma_wait3A_496 = arith.constant 0 : i32
    %dma_wait3A_497 = tpu.memref_slice %arg3[%squeeze3A_24, %dma_wait3A_496] : memref<128256x64xf32, #tpu.memory_space<hbm>> -> memref<1x64xf32, #tpu.memory_space<hbm>>
    tpu.wait_dma2 semaphore(%arg7 : memref<!tpu.dma_semaphore, #tpu.memory_space<semaphore_mem>>) src(%dma_wait3A_497 : memref<1x64xf32, #tpu.memory_space<hbm>>) dst(%dma_wait3A_495 : memref<1x64xf32, #tpu.memory_space<vmem>>)
    %dma_wait3A_498 = arith.constant 11 : i32
    %dma_wait3A_499 = arith.constant 0 : i32
    %dma_wait3A_500 = tpu.memref_slice %arg6[%dma_wait3A_498, %dma_wait3A_499] : memref<32x64xf32, #tpu.memory_space<vmem>> -> memref<1x64xf32, #tpu.memory_space<vmem>>
    %dma_wait3A_501 = arith.constant 0 : i32
    %dma_wait3A_502 = tpu.memref_slice %arg3[%squeeze3A_26, %dma_wait3A_501] : memref<128256x64xf32, #tpu.memory_space<hbm>> -> memref<1x64xf32, #tpu.memory_space<hbm>>
    %dma_wait3A_503 = arith.constant 11 : i32
    %dma_wait3A_504 = arith.constant 0 : i32
    %dma_wait3A_505 = tpu.memref_slice %arg6[%dma_wait3A_503, %dma_wait3A_504] : memref<32x64xf32, #tpu.memory_space<vmem>> -> memref<1x64xf32, #tpu.memory_space<vmem>>
    %dma_wait3A_506 = arith.constant 0 : i32
    %dma_wait3A_507 = tpu.memref_slice %arg3[%squeeze3A_26, %dma_wait3A_506] : memref<128256x64xf32, #tpu.memory_space<hbm>> -> memref<1x64xf32, #tpu.memory_space<hbm>>
    tpu.wait_dma2 semaphore(%arg7 : memref<!tpu.dma_semaphore, #tpu.memory_space<semaphore_mem>>) src(%dma_wait3A_507 : memref<1x64xf32, #tpu.memory_space<hbm>>) dst(%dma_wait3A_505 : memref<1x64xf32, #tpu.memory_space<vmem>>)
    %dma_wait3A_508 = arith.constant 12 : i32
    %dma_wait3A_509 = arith.constant 0 : i32
    %dma_wait3A_510 = tpu.memref_slice %arg6[%dma_wait3A_508, %dma_wait3A_509] : memref<32x64xf32, #tpu.memory_space<vmem>> -> memref<1x64xf32, #tpu.memory_space<vmem>>
    %dma_wait3A_511 = arith.constant 0 : i32
    %dma_wait3A_512 = tpu.memref_slice %arg3[%squeeze3A_28, %dma_wait3A_511] : memref<128256x64xf32, #tpu.memory_space<hbm>> -> memref<1x64xf32, #tpu.memory_space<hbm>>
    %dma_wait3A_513 = arith.constant 12 : i32
    %dma_wait3A_514 = arith.constant 0 : i32
    %dma_wait3A_515 = tpu.memref_slice %arg6[%dma_wait3A_513, %dma_wait3A_514] : memref<32x64xf32, #tpu.memory_space<vmem>> -> memref<1x64xf32, #tpu.memory_space<vmem>>
    %dma_wait3A_516 = arith.constant 0 : i32
    %dma_wait3A_517 = tpu.memref_slice %arg3[%squeeze3A_28, %dma_wait3A_516] : memref<128256x64xf32, #tpu.memory_space<hbm>> -> memref<1x64xf32, #tpu.memory_space<hbm>>
    tpu.wait_dma2 semaphore(%arg7 : memref<!tpu.dma_semaphore, #tpu.memory_space<semaphore_mem>>) src(%dma_wait3A_517 : memref<1x64xf32, #tpu.memory_space<hbm>>) dst(%dma_wait3A_515 : memref<1x64xf32, #tpu.memory_space<vmem>>)
    %dma_wait3A_518 = arith.constant 13 : i32
    %dma_wait3A_519 = arith.constant 0 : i32
    %dma_wait3A_520 = tpu.memref_slice %arg6[%dma_wait3A_518, %dma_wait3A_519] : memref<32x64xf32, #tpu.memory_space<vmem>> -> memref<1x64xf32, #tpu.memory_space<vmem>>
    %dma_wait3A_521 = arith.constant 0 : i32
    %dma_wait3A_522 = tpu.memref_slice %arg3[%squeeze3A_30, %dma_wait3A_521] : memref<128256x64xf32, #tpu.memory_space<hbm>> -> memref<1x64xf32, #tpu.memory_space<hbm>>
    %dma_wait3A_523 = arith.constant 13 : i32
    %dma_wait3A_524 = arith.constant 0 : i32
    %dma_wait3A_525 = tpu.memref_slice %arg6[%dma_wait3A_523, %dma_wait3A_524] : memref<32x64xf32, #tpu.memory_space<vmem>> -> memref<1x64xf32, #tpu.memory_space<vmem>>
    %dma_wait3A_526 = arith.constant 0 : i32
    %dma_wait3A_527 = tpu.memref_slice %arg3[%squeeze3A_30, %dma_wait3A_526] : memref<128256x64xf32, #tpu.memory_space<hbm>> -> memref<1x64xf32, #tpu.memory_space<hbm>>
    tpu.wait_dma2 semaphore(%arg7 : memref<!tpu.dma_semaphore, #tpu.memory_space<semaphore_mem>>) src(%dma_wait3A_527 : memref<1x64xf32, #tpu.memory_space<hbm>>) dst(%dma_wait3A_525 : memref<1x64xf32, #tpu.memory_space<vmem>>)
    %dma_wait3A_528 = arith.constant 14 : i32
    %dma_wait3A_529 = arith.constant 0 : i32
    %dma_wait3A_530 = tpu.memref_slice %arg6[%dma_wait3A_528, %dma_wait3A_529] : memref<32x64xf32, #tpu.memory_space<vmem>> -> memref<1x64xf32, #tpu.memory_space<vmem>>
    %dma_wait3A_531 = arith.constant 0 : i32
    %dma_wait3A_532 = tpu.memref_slice %arg3[%squeeze3A_32, %dma_wait3A_531] : memref<128256x64xf32, #tpu.memory_space<hbm>> -> memref<1x64xf32, #tpu.memory_space<hbm>>
    %dma_wait3A_533 = arith.constant 14 : i32
    %dma_wait3A_534 = arith.constant 0 : i32
    %dma_wait3A_535 = tpu.memref_slice %arg6[%dma_wait3A_533, %dma_wait3A_534] : memref<32x64xf32, #tpu.memory_space<vmem>> -> memref<1x64xf32, #tpu.memory_space<vmem>>
    %dma_wait3A_536 = arith.constant 0 : i32
    %dma_wait3A_537 = tpu.memref_slice %arg3[%squeeze3A_32, %dma_wait3A_536] : memref<128256x64xf32, #tpu.memory_space<hbm>> -> memref<1x64xf32, #tpu.memory_space<hbm>>
    tpu.wait_dma2 semaphore(%arg7 : memref<!tpu.dma_semaphore, #tpu.memory_space<semaphore_mem>>) src(%dma_wait3A_537 : memref<1x64xf32, #tpu.memory_space<hbm>>) dst(%dma_wait3A_535 : memref<1x64xf32, #tpu.memory_space<vmem>>)
    %dma_wait3A_538 = arith.constant 15 : i32
    %dma_wait3A_539 = arith.constant 0 : i32
    %dma_wait3A_540 = tpu.memref_slice %arg6[%dma_wait3A_538, %dma_wait3A_539] : memref<32x64xf32, #tpu.memory_space<vmem>> -> memref<1x64xf32, #tpu.memory_space<vmem>>
    %dma_wait3A_541 = arith.constant 0 : i32
    %dma_wait3A_542 = tpu.memref_slice %arg3[%squeeze3A_34, %dma_wait3A_541] : memref<128256x64xf32, #tpu.memory_space<hbm>> -> memref<1x64xf32, #tpu.memory_space<hbm>>
    %dma_wait3A_543 = arith.constant 15 : i32
    %dma_wait3A_544 = arith.constant 0 : i32
    %dma_wait3A_545 = tpu.memref_slice %arg6[%dma_wait3A_543, %dma_wait3A_544] : memref<32x64xf32, #tpu.memory_space<vmem>> -> memref<1x64xf32, #tpu.memory_space<vmem>>
    %dma_wait3A_546 = arith.constant 0 : i32
    %dma_wait3A_547 = tpu.memref_slice %arg3[%squeeze3A_34, %dma_wait3A_546] : memref<128256x64xf32, #tpu.memory_space<hbm>> -> memref<1x64xf32, #tpu.memory_space<hbm>>
    tpu.wait_dma2 semaphore(%arg7 : memref<!tpu.dma_semaphore, #tpu.memory_space<semaphore_mem>>) src(%dma_wait3A_547 : memref<1x64xf32, #tpu.memory_space<hbm>>) dst(%dma_wait3A_545 : memref<1x64xf32, #tpu.memory_space<vmem>>)
    %dma_wait3A_548 = arith.constant 16 : i32
    %dma_wait3A_549 = arith.constant 0 : i32
    %dma_wait3A_550 = tpu.memref_slice %arg6[%dma_wait3A_548, %dma_wait3A_549] : memref<32x64xf32, #tpu.memory_space<vmem>> -> memref<1x64xf32, #tpu.memory_space<vmem>>
    %dma_wait3A_551 = arith.constant 0 : i32
    %dma_wait3A_552 = tpu.memref_slice %arg3[%squeeze3A_39, %dma_wait3A_551] : memref<128256x64xf32, #tpu.memory_space<hbm>> -> memref<1x64xf32, #tpu.memory_space<hbm>>
    %dma_wait3A_553 = arith.constant 16 : i32
    %dma_wait3A_554 = arith.constant 0 : i32
    %dma_wait3A_555 = tpu.memref_slice %arg6[%dma_wait3A_553, %dma_wait3A_554] : memref<32x64xf32, #tpu.memory_space<vmem>> -> memref<1x64xf32, #tpu.memory_space<vmem>>
    %dma_wait3A_556 = arith.constant 0 : i32
    %dma_wait3A_557 = tpu.memref_slice %arg3[%squeeze3A_39, %dma_wait3A_556] : memref<128256x64xf32, #tpu.memory_space<hbm>> -> memref<1x64xf32, #tpu.memory_space<hbm>>
    tpu.wait_dma2 semaphore(%arg7 : memref<!tpu.dma_semaphore, #tpu.memory_space<semaphore_mem>>) src(%dma_wait3A_557 : memref<1x64xf32, #tpu.memory_space<hbm>>) dst(%dma_wait3A_555 : memref<1x64xf32, #tpu.memory_space<vmem>>)
    %dma_wait3A_558 = arith.constant 17 : i32
    %dma_wait3A_559 = arith.constant 0 : i32
    %dma_wait3A_560 = tpu.memref_slice %arg6[%dma_wait3A_558, %dma_wait3A_559] : memref<32x64xf32, #tpu.memory_space<vmem>> -> memref<1x64xf32, #tpu.memory_space<vmem>>
    %dma_wait3A_561 = arith.constant 0 : i32
    %dma_wait3A_562 = tpu.memref_slice %arg3[%squeeze3A_41, %dma_wait3A_561] : memref<128256x64xf32, #tpu.memory_space<hbm>> -> memref<1x64xf32, #tpu.memory_space<hbm>>
    %dma_wait3A_563 = arith.constant 17 : i32
    %dma_wait3A_564 = arith.constant 0 : i32
    %dma_wait3A_565 = tpu.memref_slice %arg6[%dma_wait3A_563, %dma_wait3A_564] : memref<32x64xf32, #tpu.memory_space<vmem>> -> memref<1x64xf32, #tpu.memory_space<vmem>>
    %dma_wait3A_566 = arith.constant 0 : i32
    %dma_wait3A_567 = tpu.memref_slice %arg3[%squeeze3A_41, %dma_wait3A_566] : memref<128256x64xf32, #tpu.memory_space<hbm>> -> memref<1x64xf32, #tpu.memory_space<hbm>>
    tpu.wait_dma2 semaphore(%arg7 : memref<!tpu.dma_semaphore, #tpu.memory_space<semaphore_mem>>) src(%dma_wait3A_567 : memref<1x64xf32, #tpu.memory_space<hbm>>) dst(%dma_wait3A_565 : memref<1x64xf32, #tpu.memory_space<vmem>>)
    %dma_wait3A_568 = arith.constant 18 : i32
    %dma_wait3A_569 = arith.constant 0 : i32
    %dma_wait3A_570 = tpu.memref_slice %arg6[%dma_wait3A_568, %dma_wait3A_569] : memref<32x64xf32, #tpu.memory_space<vmem>> -> memref<1x64xf32, #tpu.memory_space<vmem>>
    %dma_wait3A_571 = arith.constant 0 : i32
    %dma_wait3A_572 = tpu.memref_slice %arg3[%squeeze3A_43, %dma_wait3A_571] : memref<128256x64xf32, #tpu.memory_space<hbm>> -> memref<1x64xf32, #tpu.memory_space<hbm>>
    %dma_wait3A_573 = arith.constant 18 : i32
    %dma_wait3A_574 = arith.constant 0 : i32
    %dma_wait3A_575 = tpu.memref_slice %arg6[%dma_wait3A_573, %dma_wait3A_574] : memref<32x64xf32, #tpu.memory_space<vmem>> -> memref<1x64xf32, #tpu.memory_space<vmem>>
    %dma_wait3A_576 = arith.constant 0 : i32
    %dma_wait3A_577 = tpu.memref_slice %arg3[%squeeze3A_43, %dma_wait3A_576] : memref<128256x64xf32, #tpu.memory_space<hbm>> -> memref<1x64xf32, #tpu.memory_space<hbm>>
    tpu.wait_dma2 semaphore(%arg7 : memref<!tpu.dma_semaphore, #tpu.memory_space<semaphore_mem>>) src(%dma_wait3A_577 : memref<1x64xf32, #tpu.memory_space<hbm>>) dst(%dma_wait3A_575 : memref<1x64xf32, #tpu.memory_space<vmem>>)
    %dma_wait3A_578 = arith.constant 19 : i32
    %dma_wait3A_579 = arith.constant 0 : i32
    %dma_wait3A_580 = tpu.memref_slice %arg6[%dma_wait3A_578, %dma_wait3A_579] : memref<32x64xf32, #tpu.memory_space<vmem>> -> memref<1x64xf32, #tpu.memory_space<vmem>>
    %dma_wait3A_581 = arith.constant 0 : i32
    %dma_wait3A_582 = tpu.memref_slice %arg3[%squeeze3A_45, %dma_wait3A_581] : memref<128256x64xf32, #tpu.memory_space<hbm>> -> memref<1x64xf32, #tpu.memory_space<hbm>>
    %dma_wait3A_583 = arith.constant 19 : i32
    %dma_wait3A_584 = arith.constant 0 : i32
    %dma_wait3A_585 = tpu.memref_slice %arg6[%dma_wait3A_583, %dma_wait3A_584] : memref<32x64xf32, #tpu.memory_space<vmem>> -> memref<1x64xf32, #tpu.memory_space<vmem>>
    %dma_wait3A_586 = arith.constant 0 : i32
    %dma_wait3A_587 = tpu.memref_slice %arg3[%squeeze3A_45, %dma_wait3A_586] : memref<128256x64xf32, #tpu.memory_space<hbm>> -> memref<1x64xf32, #tpu.memory_space<hbm>>
    tpu.wait_dma2 semaphore(%arg7 : memref<!tpu.dma_semaphore, #tpu.memory_space<semaphore_mem>>) src(%dma_wait3A_587 : memref<1x64xf32, #tpu.memory_space<hbm>>) dst(%dma_wait3A_585 : memref<1x64xf32, #tpu.memory_space<vmem>>)
    %dma_wait3A_588 = arith.constant 20 : i32
    %dma_wait3A_589 = arith.constant 0 : i32
    %dma_wait3A_590 = tpu.memref_slice %arg6[%dma_wait3A_588, %dma_wait3A_589] : memref<32x64xf32, #tpu.memory_space<vmem>> -> memref<1x64xf32, #tpu.memory_space<vmem>>
    %dma_wait3A_591 = arith.constant 0 : i32
    %dma_wait3A_592 = tpu.memref_slice %arg3[%squeeze3A_47, %dma_wait3A_591] : memref<128256x64xf32, #tpu.memory_space<hbm>> -> memref<1x64xf32, #tpu.memory_space<hbm>>
    %dma_wait3A_593 = arith.constant 20 : i32
    %dma_wait3A_594 = arith.constant 0 : i32
    %dma_wait3A_595 = tpu.memref_slice %arg6[%dma_wait3A_593, %dma_wait3A_594] : memref<32x64xf32, #tpu.memory_space<vmem>> -> memref<1x64xf32, #tpu.memory_space<vmem>>
    %dma_wait3A_596 = arith.constant 0 : i32
    %dma_wait3A_597 = tpu.memref_slice %arg3[%squeeze3A_47, %dma_wait3A_596] : memref<128256x64xf32, #tpu.memory_space<hbm>> -> memref<1x64xf32, #tpu.memory_space<hbm>>
    tpu.wait_dma2 semaphore(%arg7 : memref<!tpu.dma_semaphore, #tpu.memory_space<semaphore_mem>>) src(%dma_wait3A_597 : memref<1x64xf32, #tpu.memory_space<hbm>>) dst(%dma_wait3A_595 : memref<1x64xf32, #tpu.memory_space<vmem>>)
    %dma_wait3A_598 = arith.constant 21 : i32
    %dma_wait3A_599 = arith.constant 0 : i32
    %dma_wait3A_600 = tpu.memref_slice %arg6[%dma_wait3A_598, %dma_wait3A_599] : memref<32x64xf32, #tpu.memory_space<vmem>> -> memref<1x64xf32, #tpu.memory_space<vmem>>
    %dma_wait3A_601 = arith.constant 0 : i32
    %dma_wait3A_602 = tpu.memref_slice %arg3[%squeeze3A_49, %dma_wait3A_601] : memref<128256x64xf32, #tpu.memory_space<hbm>> -> memref<1x64xf32, #tpu.memory_space<hbm>>
    %dma_wait3A_603 = arith.constant 21 : i32
    %dma_wait3A_604 = arith.constant 0 : i32
    %dma_wait3A_605 = tpu.memref_slice %arg6[%dma_wait3A_603, %dma_wait3A_604] : memref<32x64xf32, #tpu.memory_space<vmem>> -> memref<1x64xf32, #tpu.memory_space<vmem>>
    %dma_wait3A_606 = arith.constant 0 : i32
    %dma_wait3A_607 = tpu.memref_slice %arg3[%squeeze3A_49, %dma_wait3A_606] : memref<128256x64xf32, #tpu.memory_space<hbm>> -> memref<1x64xf32, #tpu.memory_space<hbm>>
    tpu.wait_dma2 semaphore(%arg7 : memref<!tpu.dma_semaphore, #tpu.memory_space<semaphore_mem>>) src(%dma_wait3A_607 : memref<1x64xf32, #tpu.memory_space<hbm>>) dst(%dma_wait3A_605 : memref<1x64xf32, #tpu.memory_space<vmem>>)
    %dma_wait3A_608 = arith.constant 22 : i32
    %dma_wait3A_609 = arith.constant 0 : i32
    %dma_wait3A_610 = tpu.memref_slice %arg6[%dma_wait3A_608, %dma_wait3A_609] : memref<32x64xf32, #tpu.memory_space<vmem>> -> memref<1x64xf32, #tpu.memory_space<vmem>>
    %dma_wait3A_611 = arith.constant 0 : i32
    %dma_wait3A_612 = tpu.memref_slice %arg3[%squeeze3A_51, %dma_wait3A_611] : memref<128256x64xf32, #tpu.memory_space<hbm>> -> memref<1x64xf32, #tpu.memory_space<hbm>>
    %dma_wait3A_613 = arith.constant 22 : i32
    %dma_wait3A_614 = arith.constant 0 : i32
    %dma_wait3A_615 = tpu.memref_slice %arg6[%dma_wait3A_613, %dma_wait3A_614] : memref<32x64xf32, #tpu.memory_space<vmem>> -> memref<1x64xf32, #tpu.memory_space<vmem>>
    %dma_wait3A_616 = arith.constant 0 : i32
    %dma_wait3A_617 = tpu.memref_slice %arg3[%squeeze3A_51, %dma_wait3A_616] : memref<128256x64xf32, #tpu.memory_space<hbm>> -> memref<1x64xf32, #tpu.memory_space<hbm>>
    tpu.wait_dma2 semaphore(%arg7 : memref<!tpu.dma_semaphore, #tpu.memory_space<semaphore_mem>>) src(%dma_wait3A_617 : memref<1x64xf32, #tpu.memory_space<hbm>>) dst(%dma_wait3A_615 : memref<1x64xf32, #tpu.memory_space<vmem>>)
    %dma_wait3A_618 = arith.constant 23 : i32
    %dma_wait3A_619 = arith.constant 0 : i32
    %dma_wait3A_620 = tpu.memref_slice %arg6[%dma_wait3A_618, %dma_wait3A_619] : memref<32x64xf32, #tpu.memory_space<vmem>> -> memref<1x64xf32, #tpu.memory_space<vmem>>
    %dma_wait3A_621 = arith.constant 0 : i32
    %dma_wait3A_622 = tpu.memref_slice %arg3[%squeeze3A_53, %dma_wait3A_621] : memref<128256x64xf32, #tpu.memory_space<hbm>> -> memref<1x64xf32, #tpu.memory_space<hbm>>
    %dma_wait3A_623 = arith.constant 23 : i32
    %dma_wait3A_624 = arith.constant 0 : i32
    %dma_wait3A_625 = tpu.memref_slice %arg6[%dma_wait3A_623, %dma_wait3A_624] : memref<32x64xf32, #tpu.memory_space<vmem>> -> memref<1x64xf32, #tpu.memory_space<vmem>>
    %dma_wait3A_626 = arith.constant 0 : i32
    %dma_wait3A_627 = tpu.memref_slice %arg3[%squeeze3A_53, %dma_wait3A_626] : memref<128256x64xf32, #tpu.memory_space<hbm>> -> memref<1x64xf32, #tpu.memory_space<hbm>>
    tpu.wait_dma2 semaphore(%arg7 : memref<!tpu.dma_semaphore, #tpu.memory_space<semaphore_mem>>) src(%dma_wait3A_627 : memref<1x64xf32, #tpu.memory_space<hbm>>) dst(%dma_wait3A_625 : memref<1x64xf32, #tpu.memory_space<vmem>>)
    %dma_wait3A_628 = arith.constant 24 : i32
    %dma_wait3A_629 = arith.constant 0 : i32
    %dma_wait3A_630 = tpu.memref_slice %arg6[%dma_wait3A_628, %dma_wait3A_629] : memref<32x64xf32, #tpu.memory_space<vmem>> -> memref<1x64xf32, #tpu.memory_space<vmem>>
    %dma_wait3A_631 = arith.constant 0 : i32
    %dma_wait3A_632 = tpu.memref_slice %arg3[%squeeze3A_55, %dma_wait3A_631] : memref<128256x64xf32, #tpu.memory_space<hbm>> -> memref<1x64xf32, #tpu.memory_space<hbm>>
    %dma_wait3A_633 = arith.constant 24 : i32
    %dma_wait3A_634 = arith.constant 0 : i32
    %dma_wait3A_635 = tpu.memref_slice %arg6[%dma_wait3A_633, %dma_wait3A_634] : memref<32x64xf32, #tpu.memory_space<vmem>> -> memref<1x64xf32, #tpu.memory_space<vmem>>
    %dma_wait3A_636 = arith.constant 0 : i32
    %dma_wait3A_637 = tpu.memref_slice %arg3[%squeeze3A_55, %dma_wait3A_636] : memref<128256x64xf32, #tpu.memory_space<hbm>> -> memref<1x64xf32, #tpu.memory_space<hbm>>
    tpu.wait_dma2 semaphore(%arg7 : memref<!tpu.dma_semaphore, #tpu.memory_space<semaphore_mem>>) src(%dma_wait3A_637 : memref<1x64xf32, #tpu.memory_space<hbm>>) dst(%dma_wait3A_635 : memref<1x64xf32, #tpu.memory_space<vmem>>)
    %dma_wait3A_638 = arith.constant 25 : i32
    %dma_wait3A_639 = arith.constant 0 : i32
    %dma_wait3A_640 = tpu.memref_slice %arg6[%dma_wait3A_638, %dma_wait3A_639] : memref<32x64xf32, #tpu.memory_space<vmem>> -> memref<1x64xf32, #tpu.memory_space<vmem>>
    %dma_wait3A_641 = arith.constant 0 : i32
    %dma_wait3A_642 = tpu.memref_slice %arg3[%squeeze3A_57, %dma_wait3A_641] : memref<128256x64xf32, #tpu.memory_space<hbm>> -> memref<1x64xf32, #tpu.memory_space<hbm>>
    %dma_wait3A_643 = arith.constant 25 : i32
    %dma_wait3A_644 = arith.constant 0 : i32
    %dma_wait3A_645 = tpu.memref_slice %arg6[%dma_wait3A_643, %dma_wait3A_644] : memref<32x64xf32, #tpu.memory_space<vmem>> -> memref<1x64xf32, #tpu.memory_space<vmem>>
    %dma_wait3A_646 = arith.constant 0 : i32
    %dma_wait3A_647 = tpu.memref_slice %arg3[%squeeze3A_57, %dma_wait3A_646] : memref<128256x64xf32, #tpu.memory_space<hbm>> -> memref<1x64xf32, #tpu.memory_space<hbm>>
    tpu.wait_dma2 semaphore(%arg7 : memref<!tpu.dma_semaphore, #tpu.memory_space<semaphore_mem>>) src(%dma_wait3A_647 : memref<1x64xf32, #tpu.memory_space<hbm>>) dst(%dma_wait3A_645 : memref<1x64xf32, #tpu.memory_space<vmem>>)
    %dma_wait3A_648 = arith.constant 26 : i32
    %dma_wait3A_649 = arith.constant 0 : i32
    %dma_wait3A_650 = tpu.memref_slice %arg6[%dma_wait3A_648, %dma_wait3A_649] : memref<32x64xf32, #tpu.memory_space<vmem>> -> memref<1x64xf32, #tpu.memory_space<vmem>>
    %dma_wait3A_651 = arith.constant 0 : i32
    %dma_wait3A_652 = tpu.memref_slice %arg3[%squeeze3A_59, %dma_wait3A_651] : memref<128256x64xf32, #tpu.memory_space<hbm>> -> memref<1x64xf32, #tpu.memory_space<hbm>>
    %dma_wait3A_653 = arith.constant 26 : i32
    %dma_wait3A_654 = arith.constant 0 : i32
    %dma_wait3A_655 = tpu.memref_slice %arg6[%dma_wait3A_653, %dma_wait3A_654] : memref<32x64xf32, #tpu.memory_space<vmem>> -> memref<1x64xf32, #tpu.memory_space<vmem>>
    %dma_wait3A_656 = arith.constant 0 : i32
    %dma_wait3A_657 = tpu.memref_slice %arg3[%squeeze3A_59, %dma_wait3A_656] : memref<128256x64xf32, #tpu.memory_space<hbm>> -> memref<1x64xf32, #tpu.memory_space<hbm>>
    tpu.wait_dma2 semaphore(%arg7 : memref<!tpu.dma_semaphore, #tpu.memory_space<semaphore_mem>>) src(%dma_wait3A_657 : memref<1x64xf32, #tpu.memory_space<hbm>>) dst(%dma_wait3A_655 : memref<1x64xf32, #tpu.memory_space<vmem>>)
    %dma_wait3A_658 = arith.constant 27 : i32
    %dma_wait3A_659 = arith.constant 0 : i32
    %dma_wait3A_660 = tpu.memref_slice %arg6[%dma_wait3A_658, %dma_wait3A_659] : memref<32x64xf32, #tpu.memory_space<vmem>> -> memref<1x64xf32, #tpu.memory_space<vmem>>
    %dma_wait3A_661 = arith.constant 0 : i32
    %dma_wait3A_662 = tpu.memref_slice %arg3[%squeeze3A_61, %dma_wait3A_661] : memref<128256x64xf32, #tpu.memory_space<hbm>> -> memref<1x64xf32, #tpu.memory_space<hbm>>
    %dma_wait3A_663 = arith.constant 27 : i32
    %dma_wait3A_664 = arith.constant 0 : i32
    %dma_wait3A_665 = tpu.memref_slice %arg6[%dma_wait3A_663, %dma_wait3A_664] : memref<32x64xf32, #tpu.memory_space<vmem>> -> memref<1x64xf32, #tpu.memory_space<vmem>>
    %dma_wait3A_666 = arith.constant 0 : i32
    %dma_wait3A_667 = tpu.memref_slice %arg3[%squeeze3A_61, %dma_wait3A_666] : memref<128256x64xf32, #tpu.memory_space<hbm>> -> memref<1x64xf32, #tpu.memory_space<hbm>>
    tpu.wait_dma2 semaphore(%arg7 : memref<!tpu.dma_semaphore, #tpu.memory_space<semaphore_mem>>) src(%dma_wait3A_667 : memref<1x64xf32, #tpu.memory_space<hbm>>) dst(%dma_wait3A_665 : memref<1x64xf32, #tpu.memory_space<vmem>>)
    %dma_wait3A_668 = arith.constant 28 : i32
    %dma_wait3A_669 = arith.constant 0 : i32
    %dma_wait3A_670 = tpu.memref_slice %arg6[%dma_wait3A_668, %dma_wait3A_669] : memref<32x64xf32, #tpu.memory_space<vmem>> -> memref<1x64xf32, #tpu.memory_space<vmem>>
    %dma_wait3A_671 = arith.constant 0 : i32
    %dma_wait3A_672 = tpu.memref_slice %arg3[%squeeze3A_63, %dma_wait3A_671] : memref<128256x64xf32, #tpu.memory_space<hbm>> -> memref<1x64xf32, #tpu.memory_space<hbm>>
    %dma_wait3A_673 = arith.constant 28 : i32
    %dma_wait3A_674 = arith.constant 0 : i32
    %dma_wait3A_675 = tpu.memref_slice %arg6[%dma_wait3A_673, %dma_wait3A_674] : memref<32x64xf32, #tpu.memory_space<vmem>> -> memref<1x64xf32, #tpu.memory_space<vmem>>
    %dma_wait3A_676 = arith.constant 0 : i32
    %dma_wait3A_677 = tpu.memref_slice %arg3[%squeeze3A_63, %dma_wait3A_676] : memref<128256x64xf32, #tpu.memory_space<hbm>> -> memref<1x64xf32, #tpu.memory_space<hbm>>
    tpu.wait_dma2 semaphore(%arg7 : memref<!tpu.dma_semaphore, #tpu.memory_space<semaphore_mem>>) src(%dma_wait3A_677 : memref<1x64xf32, #tpu.memory_space<hbm>>) dst(%dma_wait3A_675 : memref<1x64xf32, #tpu.memory_space<vmem>>)
    %dma_wait3A_678 = arith.constant 29 : i32
    %dma_wait3A_679 = arith.constant 0 : i32
    %dma_wait3A_680 = tpu.memref_slice %arg6[%dma_wait3A_678, %dma_wait3A_679] : memref<32x64xf32, #tpu.memory_space<vmem>> -> memref<1x64xf32, #tpu.memory_space<vmem>>
    %dma_wait3A_681 = arith.constant 0 : i32
    %dma_wait3A_682 = tpu.memref_slice %arg3[%squeeze3A_65, %dma_wait3A_681] : memref<128256x64xf32, #tpu.memory_space<hbm>> -> memref<1x64xf32, #tpu.memory_space<hbm>>
    %dma_wait3A_683 = arith.constant 29 : i32
    %dma_wait3A_684 = arith.constant 0 : i32
    %dma_wait3A_685 = tpu.memref_slice %arg6[%dma_wait3A_683, %dma_wait3A_684] : memref<32x64xf32, #tpu.memory_space<vmem>> -> memref<1x64xf32, #tpu.memory_space<vmem>>
    %dma_wait3A_686 = arith.constant 0 : i32
    %dma_wait3A_687 = tpu.memref_slice %arg3[%squeeze3A_65, %dma_wait3A_686] : memref<128256x64xf32, #tpu.memory_space<hbm>> -> memref<1x64xf32, #tpu.memory_space<hbm>>
    tpu.wait_dma2 semaphore(%arg7 : memref<!tpu.dma_semaphore, #tpu.memory_space<semaphore_mem>>) src(%dma_wait3A_687 : memref<1x64xf32, #tpu.memory_space<hbm>>) dst(%dma_wait3A_685 : memref<1x64xf32, #tpu.memory_space<vmem>>)
    %dma_wait3A_688 = arith.constant 30 : i32
    %dma_wait3A_689 = arith.constant 0 : i32
    %dma_wait3A_690 = tpu.memref_slice %arg6[%dma_wait3A_688, %dma_wait3A_689] : memref<32x64xf32, #tpu.memory_space<vmem>> -> memref<1x64xf32, #tpu.memory_space<vmem>>
    %dma_wait3A_691 = arith.constant 0 : i32
    %dma_wait3A_692 = tpu.memref_slice %arg3[%squeeze3A_67, %dma_wait3A_691] : memref<128256x64xf32, #tpu.memory_space<hbm>> -> memref<1x64xf32, #tpu.memory_space<hbm>>
    %dma_wait3A_693 = arith.constant 30 : i32
    %dma_wait3A_694 = arith.constant 0 : i32
    %dma_wait3A_695 = tpu.memref_slice %arg6[%dma_wait3A_693, %dma_wait3A_694] : memref<32x64xf32, #tpu.memory_space<vmem>> -> memref<1x64xf32, #tpu.memory_space<vmem>>
    %dma_wait3A_696 = arith.constant 0 : i32
    %dma_wait3A_697 = tpu.memref_slice %arg3[%squeeze3A_67, %dma_wait3A_696] : memref<128256x64xf32, #tpu.memory_space<hbm>> -> memref<1x64xf32, #tpu.memory_space<hbm>>
    tpu.wait_dma2 semaphore(%arg7 : memref<!tpu.dma_semaphore, #tpu.memory_space<semaphore_mem>>) src(%dma_wait3A_697 : memref<1x64xf32, #tpu.memory_space<hbm>>) dst(%dma_wait3A_695 : memref<1x64xf32, #tpu.memory_space<vmem>>)
    %dma_wait3A_698 = arith.constant 31 : i32
    %dma_wait3A_699 = arith.constant 0 : i32
    %dma_wait3A_700 = tpu.memref_slice %arg6[%dma_wait3A_698, %dma_wait3A_699] : memref<32x64xf32, #tpu.memory_space<vmem>> -> memref<1x64xf32, #tpu.memory_space<vmem>>
    %dma_wait3A_701 = arith.constant 0 : i32
    %dma_wait3A_702 = tpu.memref_slice %arg3[%squeeze3A_69, %dma_wait3A_701] : memref<128256x64xf32, #tpu.memory_space<hbm>> -> memref<1x64xf32, #tpu.memory_space<hbm>>
    %dma_wait3A_703 = arith.constant 31 : i32
    %dma_wait3A_704 = arith.constant 0 : i32
    %dma_wait3A_705 = tpu.memref_slice %arg6[%dma_wait3A_703, %dma_wait3A_704] : memref<32x64xf32, #tpu.memory_space<vmem>> -> memref<1x64xf32, #tpu.memory_space<vmem>>
    %dma_wait3A_706 = arith.constant 0 : i32
    %dma_wait3A_707 = tpu.memref_slice %arg3[%squeeze3A_69, %dma_wait3A_706] : memref<128256x64xf32, #tpu.memory_space<hbm>> -> memref<1x64xf32, #tpu.memory_space<hbm>>
    tpu.wait_dma2 semaphore(%arg7 : memref<!tpu.dma_semaphore, #tpu.memory_space<semaphore_mem>>) src(%dma_wait3A_707 : memref<1x64xf32, #tpu.memory_space<hbm>>) dst(%dma_wait3A_705 : memref<1x64xf32, #tpu.memory_space<vmem>>)
    "tpu.region"() ({
      %run_scoped3A = tpu.sem_alloc : memref<!tpu.dma_semaphore, #tpu.memory_space<semaphore_mem>>
      %dma_start3A_708 = arith.constant 0 : i32
      %dma_start3A_709 = tpu.memref_slice %arg4[%mul3A_2, %dma_start3A_708] : memref<1024x64xf32, #tpu.memory_space<hbm>> -> memref<32x64xf32, #tpu.memory_space<hbm>>
      %dma_start3A_710 = arith.constant 0 : i32
      %dma_start3A_711 = tpu.memref_slice %arg4[%mul3A_2, %dma_start3A_710] : memref<1024x64xf32, #tpu.memory_space<hbm>> -> memref<32x64xf32, #tpu.memory_space<hbm>>
      tpu.enqueue_dma source(%arg6 : memref<32x64xf32, #tpu.memory_space<vmem>>) target(%dma_start3A_711 : memref<32x64xf32, #tpu.memory_space<hbm>>) target_semaphore(%run_scoped3A : memref<!tpu.dma_semaphore, #tpu.memory_space<semaphore_mem>>)
      %dma_wait3A_712 = arith.constant 0 : i32
      %dma_wait3A_713 = tpu.memref_slice %arg4[%mul3A_2, %dma_wait3A_712] : memref<1024x64xf32, #tpu.memory_space<hbm>> -> memref<32x64xf32, #tpu.memory_space<hbm>>
      %dma_wait3A_714 = arith.constant 0 : i32
      %dma_wait3A_715 = tpu.memref_slice %arg4[%mul3A_2, %dma_wait3A_714] : memref<1024x64xf32, #tpu.memory_space<hbm>> -> memref<32x64xf32, #tpu.memory_space<hbm>>
      tpu.wait_dma2 semaphore(%run_scoped3A : memref<!tpu.dma_semaphore, #tpu.memory_space<semaphore_mem>>) src(%arg6 : memref<32x64xf32, #tpu.memory_space<vmem>>) dst(%dma_wait3A_715 : memref<32x64xf32, #tpu.memory_space<hbm>>)
      tpu.yield
    }) : () -> ()
    return
  }
}

module attributes {stable_mosaic.version = 14 : i64} {
  func.func @_head_kernel(%arg0: i32, %arg1: memref<1024x64xf32, #tpu.memory_space<vmem>>, %arg2: memref<64x7168xf32, #tpu.memory_space<vmem>>, %arg3: memref<1x7168xf32, #tpu.memory_space<vmem>>, %arg4: memref<1024x7168xf32, #tpu.memory_space<vmem>>) attributes {dimension_semantics = [#tpu.dimension_semantics<arbitrary>], iteration_bounds = array<i64: 18>, scalar_prefetch = 0 : i64, scratch_operands = 0 : i64, tpu.core_type = #tpu.core_type<tc>, window_params = [{pipeline_mode = #tpu.pipeline_mode<synchronous>, transform_indices = @transform_0, window_bounds = array<i64: 1024, 64>}, {transform_indices = @transform_1, window_bounds = array<i64: 64, 7168>}, {transform_indices = @transform_2, window_bounds = array<i64: 1, 7168>}, {transform_indices = @transform_3, window_bounds = array<i64: 1024, 7168>}]} {
    %get3A = arith.constant 0 : index
    %get3A_0 = arith.constant 0 : index
    %get3A_1 = vector.load %arg1[%get3A, %get3A_0] : memref<1024x64xf32, #tpu.memory_space<vmem>>, vector<1024x64xf32>
    %get3A_2 = arith.constant 0 : index
    %get3A_3 = arith.constant 0 : index
    %get3A_4 = vector.load %arg2[%get3A_2, %get3A_3] : memref<64x7168xf32, #tpu.memory_space<vmem>>, vector<64x7168xf32>
    %dot_general3A = arith.constant dense<0.000000e+00> : vector<1024x7168xf32>
    %dot_general3A_5 = tpu.matmul %get3A_1, %get3A_4, %dot_general3A {dimension_numbers = #tpu.dot_dimension_numbers<[1], [0], [0], [1], [0, 0, 1, 1], [], []>, transpose_lhs_hint = false} : vector<1024x64xf32>, vector<64x7168xf32>, vector<1024x7168xf32> -> vector<1024x7168xf32>
    %get3A_6 = arith.constant 0 : index
    %get3A_7 = arith.constant 0 : index
    %get3A_8 = vector.load %arg3[%get3A_6, %get3A_7] : memref<1x7168xf32, #tpu.memory_space<vmem>>, vector<1x7168xf32>
    %add3A = vector.broadcast %get3A_8 : vector<1x7168xf32> to vector<1024x7168xf32>
    %add3A_9 = arith.addf %dot_general3A_5, %add3A : vector<1024x7168xf32>
    %swap3A = arith.constant 0 : index
    %swap3A_10 = arith.constant 0 : index
    %swap3A_11 = vector.load %arg4[%swap3A, %swap3A_10] : memref<1024x7168xf32, #tpu.memory_space<vmem>>, vector<1024x7168xf32>
    tpu.vector_store %arg4[%swap3A, %swap3A_10], %add3A_9 {strides = array<i32>} : memref<1024x7168xf32, #tpu.memory_space<vmem>>, vector<1024x7168xf32>,
    return
  }
  func.func @transform_0(%arg0: i32) -> (i32, i32) {
    %c0_i32 = arith.constant 0 : i32
    %c0_i32_0 = arith.constant 0 : i32
    %c0_i32_1 = arith.constant 0 : i32
    return %c0_i32, %c0_i32_0 : i32, i32
  }
  func.func @transform_1(%arg0: i32) -> (i32, i32) {
    %c0_i32 = arith.constant 0 : i32
    %c0_i32_0 = arith.constant 0 : i32
    return %c0_i32, %arg0 : i32, i32
  }
  func.func @transform_2(%arg0: i32) -> (i32, i32) {
    %c0_i32 = arith.constant 0 : i32
    %c0_i32_0 = arith.constant 0 : i32
    return %c0_i32, %arg0 : i32, i32
  }
  func.func @transform_3(%arg0: i32) -> (i32, i32) {
    %c0_i32 = arith.constant 0 : i32
    %c0_i32_0 = arith.constant 0 : i32
    return %c0_i32, %arg0 : i32, i32
  }
}

</mosaic_0001>

<sc_bundles>
// kernel: kernel.4.cloned.1.call-start
scs
__scs_entry_jumppad:
0x0: {  	(pc) =	sbr.rel $0x88, $3  }
0x1: {  	(tag) =	ssettag $0x0;
	lr =	simm.s32 $0x1  }
0x2: {  	[smem:$0x3F9D] =	sst lr;
	_ =	strace $0xD0000000  }
0x3: {  	_ = 	snop  }
0x4: {  	_ = 	snop  }
0x5: {  	_ = 	snop  }
0x6: {  	_ = 	snop  }
0x7: {  	_ = 	snop  }
__scs_overlays_trampoline_lowered:
0x8: {  	[smem:$0x3FAC] =	sst s0  }
0x9: {  	[smem:$0x3FAD] =	sst s1  }
0xa: {  	[smem:$0x3FAE] =	sst s2  }
0xb: {  	[smem:$0x3FAF] =	sst s3  }
0xc: {  	[smem:$0x3FB0] =	sst s4  }
0xd: {  	[smem:$0x3FB1] =	sst s5  }
0xe: {  	[smem:$0x3FB2] =	sst s6  }
0xf: {  	[smem:$0x3FB3] =	sst s7  }
0x10: {  	[smem:$0x3FB4] =	sst s8  }
0x11: {  	[smem:$0x3FB5] =	sst s9;
	s0 =	simm.s32 @!p0 $0x0  }
0x12: {  	s1 =	sld [smem:$0x3F9B];
	s0 =	simm.s32 @p0 $0x1  }
0x13: {  	[smem:$0x3FB6] =	sst s0;
	s0 =	simm.s32 @!p1 $0x0  }
0x14: {  	s2 =	sld [smem:$0x3F9A];
	s0 =	simm.s32 @p1 $0x1  }
0x15: {  	[smem:$0x3FB7] =	sst s0;
	s0 =	simm.s32 @!p2 $0x0  }
0x16: {  	s3 =	sld [smem:$0x3FDB];
	s0 =	simm.s32 @p2 $0x1  }
0x17: {  	s4 =	simm.s32 $0x1BF5;
	[smem:$0x3FB9] =	sst s0  }
0x18: {  	s0 =	sld [smem:$0x3F9C];
	_ =	swait.ge [sflag:s4], $0x0  }
0x19: {  	s7 =	sld [smem:$0x3F9D]  }
0x1a: {  	s8 =	sadd.s32 $0xFFFFE003, lr  }
0x1b: {  	s9 =	sadd.s32 $0xFFFFFEF7, lr;
	s5 =	simm.s32 $0xFFFFFFFF;
	p2 =	slt.u32 s8, $0xFFFFF086  }
0x1c: {  	p1 =	slt.u32 s9, $0xF7A;
	s5 =	simm.s32 @!p2 $0x0  }
0x1d: {  	s5 =	simm.s32 @p1 $0x1;
	p0 =	seq.s32 s7, s2  }
0x1e: {  	s7 =	smul.u32 @!p0 $0xF7A, s2;
	p2 =	seq.s32 @!p0 s5, $0x0  }
0x1f: {  	s9 =	smul.u32 $0xF7A, s1;
	s8 =	simm.s32 @!p0 $0x1BF5;
	p2 =	por !p2, p0  }
0x20: {  	[sflag:s8] =	ssyncset.s32 @!p0 $0xFFFFF086;
	s6 =	sadd.s32 @!p0 s3, s7;
	s7 =	simm.s32 @!p0 $0x108  }
0x21: {  	s3 =	sadd.s32 s3, s9;
	s6 =	sadd.s32 @!p0 $0x88, s6;
	s7 =	simm.s32 @p2 $0x1082  }
0x22: {  	[simem:s7], [sflag:s8] =	dma.local @!p0 [hbm:s6], $0xF7A  }
0x23: {  	s9 =	sor.u32 $0xD0000000, s2;
	s6 =	simm.s32 $0x108;
	_ =	swait.ge @!p0 [sflag:s8], $0x0  }
0x24: {  	s3 =	sadd.s32 $0x88, s3;
	s6 =	simm.s32 @!p1 $0x1082;
	[sflag:s4] =	ssyncset.s32 $0xFFFFF086  }
0x25: {  	[simem:s6], [sflag:s4] =	dma.local [hbm:s3], $0xF7A  }
0x26: {  	[smem:$0x3F9D] =	sst s1;
	(tag) =	ssettag s2;
	_ =	strace s9  }
0x27: {  	s1 =	sld [smem:$0x3FAD]  }
0x28: {  	s2 =	sld [smem:$0x3FAE]  }
0x29: {  	s4 =	sld [smem:$0x3FB0]  }
0x2a: {  	p0 =	seq.s32 s5, $0x0;
	s5 =	sld [smem:$0x3FB1]  }
0x2b: {  	s6 =	sld [smem:$0x3FB2]  }
0x2c: {  	s7 =	sld [smem:$0x3FB3]  }
0x2d: {  	s3 =	simm.s32 $0x108;
	s8 =	sld [smem:$0x3FB4]  }
0x2e: {  	s3 =	simm.s32 @!p0 $0x1082;
	s9 =	sld [smem:$0x3FB5]  }
0x2f: {  	lr =	sadd.s32 s0, s3;
	s0 =	sld [smem:$0x3FAC]  }
0x30: {  	s3 =	sld [smem:$0x3FAF]  }
0x31: {  	[smem:$0x3FB8] =	sst s10  }
0x32: {  	s10 =	sld [smem:$0x3FB6];
	_ =	sdelay $0x3  }
0x33: {  	p0 =	seq.s32 s10, $0x1;
	s10 =	sld [smem:$0x3FB8];
	_ =	sdelay $0x3  }
0x34: {  	[smem:$0x3FB8] =	sst s10  }
0x35: {  	s10 =	sld [smem:$0x3FB7];
	_ =	sdelay $0x3  }
0x36: {  	p1 =	seq.s32 s10, $0x1;
	s10 =	sld [smem:$0x3FB8];
	_ =	sdelay $0x3  }
0x37: {  	[smem:$0x3FB8] =	sst s10  }
0x38: {  	s10 =	sld [smem:$0x3FB9]  }
0x39: {  	_ = 	snop;
	(pc) =	sbr.ind lr, $3  }
0x3a: {  	_ = 	snop  }
0x3b: {  	_ = 	snop  }
0x3c: {  	p2 =	seq.s32 s10, $0x1;
	s10 =	sld [smem:$0x3FB8]  }
0x3d: {  	_ =	shalt  }
0x3e: {  	_ =	shalt  }
0x3f: {  	_ =	shalt  }
0x40: {  	_ =	shalt  }
0x41: {  	_ =	shalt  }
0x42: {  	_ =	shalt  }
0x43: {  	_ =	shalt  }
0x44: {  	_ =	shalt  }
0x45: {  	_ =	shalt  }
0x46: {  	_ =	shalt  }
0x47: {  	_ =	shalt  }
0x48: {  	_ =	shalt  }
0x49: {  	_ =	shalt  }
0x4a: {  	_ =	shalt  }
0x4b: {  	_ =	shalt  }
0x4c: {  	_ =	shalt  }
0x4d: {  	_ =	shalt  }
0x4e: {  	_ =	shalt  }
0x4f: {  	_ =	shalt  }
0x50: {  	_ =	shalt  }
0x51: {  	_ =	shalt  }
0x52: {  	_ =	shalt  }
0x53: {  	_ =	shalt  }
0x54: {  	_ =	shalt  }
0x55: {  	_ =	shalt  }
0x56: {  	_ =	shalt  }
0x57: {  	_ =	shalt  }
0x58: {  	_ =	shalt  }
0x59: {  	_ =	shalt  }
0x5a: {  	_ =	shalt  }
0x5b: {  	_ =	shalt  }
0x5c: {  	_ =	shalt  }
0x5d: {  	_ =	shalt  }
0x5e: {  	_ =	shalt  }
0x5f: {  	_ =	shalt  }
0x60: {  	_ =	shalt  }
0x61: {  	_ =	shalt  }
0x62: {  	_ =	shalt  }
0x63: {  	_ =	shalt  }
0x64: {  	_ =	shalt  }
0x65: {  	_ =	shalt  }
0x66: {  	_ =	shalt  }
0x67: {  	_ =	shalt  }
0x68: {  	_ =	shalt  }
0x69: {  	_ =	shalt  }
0x6a: {  	_ =	shalt  }
0x6b: {  	_ =	shalt  }
0x6c: {  	_ =	shalt  }
0x6d: {  	_ =	shalt  }
0x6e: {  	_ =	shalt  }
0x6f: {  	_ =	shalt  }
0x70: {  	_ =	shalt  }
0x71: {  	_ =	shalt  }
0x72: {  	_ =	shalt  }
0x73: {  	_ =	shalt  }
0x74: {  	_ =	shalt  }
0x75: {  	_ =	shalt  }
0x76: {  	_ =	shalt  }
0x77: {  	_ =	shalt  }
0x78: {  	_ =	shalt  }
0x79: {  	_ =	shalt  }
0x7a: {  	_ =	shalt  }
0x7b: {  	_ =	shalt  }
0x7c: {  	_ =	shalt  }
0x7d: {  	_ =	shalt  }
0x7e: {  	_ =	shalt  }
0x7f: {  	_ =	shalt  }
0x80: {  	_ =	shalt  }
0x81: {  	_ =	shalt  }
0x82: {  	_ =	shalt  }
0x83: {  	_ =	shalt  }
0x84: {  	_ =	shalt  }
0x85: {  	_ =	shalt  }
0x86: {  	_ =	shalt  }
0x87: {  	_ =	shalt  }
.Lfunc_end0:
.L_simem_size_0:
called_computation_lowered:
.L_overlay_start_0:
0x88: {  	s2 =	sld [smem:$0x3FD9]  }
0x89: {  	s3 =	sld [smem:$0x3FFE];
	_ =	sdelay $0x1  }
0x8a: {  	s1 =	srdreg.scid  }
0x8b: {  	s0 =	sand.u32 $0x1, s1  }
0x8c: {  	s17 =	sshll.u32 s0, $0xA;
	s2 =	sadd.s32 s3, s2  }
0x8d: {  	s2 =	sadd.s32 s2, s17  }
0x8e: {  	[smem:$0x3FC4] =	sst s2  }
0x8f: {  	_ = 	snop  }
0x90: {  	s2 =	sld [smem:$0x3FC9]  }
0x91: {  	s18 =	sld [smem:$0x3FD0];
	(tm) =	ssettm $0x1  }
0x92: {  	s4 =	sld [smem:$0x3FFB];
	_ =	sdelay $0x3  }
0x93: {  	_ =	strace s4  }
0x94: {  	s4 =	sld [smem:$0x3FFC];
	_ =	sdelay $0x3  }
0x95: {  	_ =	strace s4  }
0x96: {  	s4 =	sld [smem:$0x3FFD];
	_ =	sdelay $0x3  }
0x97: {  	_ =	strace s4  }
0x98: {  	_ =	strace $0x8FFFFFFF  }
0x99: {  	s19 =	sld [smem:$0x3FDB];
	_ =	sdelay $0x1  }
0x9a: {  	s5 =	simm.s32 $_scs_section_size  }
0x9b: {  	s6 =	simm.s32 $_size__tile_overlayer_lowered;
	s7 =	simm.s32 $_tile_overlayer_lowered  }
0x9c: {  	s22 =	simm.s32 $0x1BFF;
	s21 =	sshll.u32 s7, $0x1;
	s4 =	sadd.s32 s5, s19  }
0x9d: {  	s8 =	simm.s32 $0x0;
	s20 =	sshll.u32 s6, $0x1;
	s6 =	sadd.s32 s21, s4  }
0x9e: {  	[timem:s8], [sflag:s22] =	dma.local [hbm:s6], s20  }
0x9f: {  	_ =	swait.ge [sflag:s22], s20  }
0xa0: {  	s5 =	ssub.s32 $0x0, s20;
	[sflag:s22] =	ssyncset.done $0x0  }
0xa1: {  	[sflag:s22] =	ssyncadd.s32 s5;
	_ =	sdelay $0x1  }
0xa2: {  	s23 =	simm.s32 $0x1B8B  }
0xa3: {  	_ =	swait.ge [sflag:s23], $0x1  }
0xa4: {  	[sflag:s23] =	ssyncset.done $0x0  }
0xa5: {  	s25 =	simm.s32 $0x1B8E;
	s24 =	sld [smem:$0x3FFE];
	[sflag:s23] =	ssyncadd.s32 $0xFFFFFFFF  }
0xa6: {  	s26 =	simm.s32 $execute0_lowered;
	[smem:$0x3FD2] =	sst s25  }
0xa7: {  	s6 =	sshll.u32 s26, $0x1;
	_ =	strace $0x80000046;
	[dreg:$0x1] =	wrdreg $0xFFFFFFFF  }
0xa8: {  	s28 =	simm.s32 $_size_execute0_lowered;
	s4 =	sadd.s32 s4, s6;
	[dreg:$0x0] =	wrdreg $0x0  }
0xa9: {  	s6 =	sshll.u32 s28, $0x1;
	[dreg:$0x2] =	wrdreg s4  }
0xaa: {  	[dreg:$0x3] =	wrdreg s6  }
0xab: {  	[dreg:$0x4] =	wrdreg $0xC0  }
0xac: {  	_ =	task [dreg:s8], $0x5FFFF  }
0xad: {  	[dreg:$0x1] =	wrdreg $0xFFFFFFFF  }
0xae: {  	[dreg:$0x0] =	wrdreg $0x60  }
0xaf: {  	[dreg:$0x2] =	wrdreg s2  }
0xb0: {  	[dreg:$0x3] =	wrdreg s18  }
0xb1: {  	[dreg:$0x4] =	wrdreg s24  }
0xb2: {  	[dreg:$0x5] =	wrdreg $0x9  }
0xb3: {  	_ =	task.clear_ibuf [dreg:s8], $0x6FFFF;
	_ =	strace $0x90000046  }
0xb4: {  	s29 =	simm.s32 $0x9;
	_ =	strace $0x80000048  }
0xb5: {  	_ =	swait.ge [sflag:s29], $0x1  }
0xb6: {  	[sflag:s29] =	ssyncadd.s32 $0xFFFFFFFF  }
0xb7: {  	_ =	strace $0x90000048  }
0xb8: {  	_ =	sfence  }
0xb9: {  	s30 =	sld [smem:$0x0];
	_ =	sdelay $0x2  }
0xba: {  	s31 =	sshll.u32 s1, $0xD;
	s1 =	sshrl.u32 s1, $0x2  }
0xbb: {  	s3 =	sand.u32 $0x4000, s31;
	s1 =	sadd.s32 s1, s30  }
0xbc: {  	s0 =	sor.u32 s3, s0;
	s1 =	sshll.u32 s1, $0x11  }
0xbd: {  	s0 =	sor.u32 s1, s0  }
0xbe: {  	s0 =	sadd.s32 $0x8F2B, s0  }
0xbf: {  	[sflag:s0] =	ssyncadd.remote.s32 $0x1  }
0xc0: {  	_ =	sfence.sel $0xFFFF  }
0xc1: {  	[dreg:$0x0] =	wrdreg $0xFFFFFFFF;
	(pc) =	sbr.abs _section_cstart, $3  }
0xc2: {  	[dreg:$0x1] =	wrdreg $0xFFFFFFFF  }
0xc3: {  	_ =	task.clear_ibuf [dreg:s8], $0x2FFFF;
	_ =	strace $0x9FFFFFFF  }
0xc4: {  	(tm) =	ssettm $0x7FFFFFFF  }
0xc5: {  	_ =	shalt  }
tec
execute0_lowered:
.L_overlay_start_1:
0x0: {  	(tag) =	ssettag $0x1  }
0x1: {  	s1 =	rddreg [dreg:$0x0]  }
0x2: {  	s2 =	srdreg.scid;
	s3 =	rddreg [dreg:$0x1]  }
0x3: {  	s4 =	rddreg [dreg:$0x2];
	s7 =	sand.u32 $0x1, s2;
	s2 =	simm.s32 $0x0  }
0x4: {  	s8 =	simm.s32 $0x200;
	[smem:$0x7FF] =	sst s2  }
0x5: {  	s9 =	simm.s32 $0x280;
	_ =	strace $0x80000047;
	[dreg:$0x8] =	wrdreg s8  }
0x6: {  	s10 =	simm.s32 $0x300;
	[dreg:$0x9] =	wrdreg s9  }
0x7: {  	s11 =	simm.s32 $0x380;
	[dreg:$0xa] =	wrdreg s10  }
0x8: {  	s12 =	simm.s32 $0x400;
	[dreg:$0xb] =	wrdreg s11  }
0x9: {  	s13 =	simm.s32 $0x480;
	[dreg:$0xc] =	wrdreg s12  }
0xa: {  	s14 =	simm.s32 $0x500;
	[dreg:$0xd] =	wrdreg s13  }
0xb: {  	s15 =	simm.s32 $0x580;
	[dreg:$0xe] =	wrdreg s14  }
0xc: {  	s16 =	simm.s32 $0x600;
	[dreg:$0xf] =	wrdreg s15  }
0xd: {  	s17 =	simm.s32 $0x680;
	[dreg:$0x10] =	wrdreg s16  }
0xe: {  	s18 =	simm.s32 $0x700;
	[dreg:$0x11] =	wrdreg s17  }
0xf: {  	s19 =	simm.s32 $0x780;
	[dreg:$0x12] =	wrdreg s18  }
0x10: {  	s20 =	simm.s32 $0x800;
	[dreg:$0x13] =	wrdreg s19  }
0x11: {  	s21 =	simm.s32 $0x880;
	[dreg:$0x14] =	wrdreg s20  }
0x12: {  	s22 =	simm.s32 $0x900;
	[dreg:$0x15] =	wrdreg s21  }
0x13: {  	s23 =	simm.s32 $0x980;
	[dreg:$0x16] =	wrdreg s22  }
0x14: {  	s24 =	simm.s32 $0xA00;
	[dreg:$0x17] =	wrdreg s23  }
0x15: {  	s25 =	simm.s32 $0xA80;
	[dreg:$0x18] =	wrdreg s24  }
0x16: {  	s26 =	simm.s32 $0xB00;
	[dreg:$0x19] =	wrdreg s25  }
0x17: {  	s28 =	simm.s32 $0xB80;
	[dreg:$0x1a] =	wrdreg s26  }
0x18: {  	s0 =	stileid.u32;
	s29 =	simm.s32 $0xC00;
	[dreg:$0x1b] =	wrdreg s28  }
0x19: {  	s30 =	simm.s32 $0xC80;
	s31 =	simm.s32 $0xD00;
	[dreg:$0x1c] =	wrdreg s29  }
0x1a: {  	s5 =	sshll.u32 s0, $0x6;
	s6 =	sshll.u32 s7, $0x5;
	[dreg:$0x1d] =	wrdreg s30  }
0x1b: {  	s0 =	simm.s32 $0xD80;
	s5 =	sor.u32 s6, s5;
	[dreg:$0x1e] =	wrdreg s31  }
0x1c: {  	[dreg:$0x1f] =	wrdreg s0;
	s8 =	simm.s32 $0xF80;
	s10 =	simm.s32 $0x1000  }
0x1d: {  	s6 =	sshll.u32 s5, $0x4;
	s5 =	sshrl.u32 s5, $0x3;
	[smem:$0x7FC] =	sst s8  }
0x1e: {  	[smem:$0x7FD] =	sst s10;
	s1 =	sadd.s32 s1, s5  }
0x1f: {  	s5 =	simm.s32 $0x100;
	[dreg:$0x4] =	wrdreg s1  }
0x20: {  	s4 =	sadd.s32 s6, s4;
	s6 =	simm.s32 $0x180;
	[dreg:$0x6] =	wrdreg s5  }
0x21: {  	s4 =	sadd.s32 $0x600, s4;
	[dreg:$0x7] =	wrdreg s6  }
0x22: {  	s5 =	simm.s32 $0xE80;
	[dreg:$0x5] =	wrdreg s4  }
0x23: {  	s6 =	simm.s32 $0xF00;
	[smem:$0x7FA] =	sst s5  }
0x24: {  	[smem:$0x7FB] =	sst s6  }
0x25: {  	s4 =	simm.s32 $0xE00;
	s9 =	rddreg [dreg:$0x4]  }
0x26: {  	s11 =	simm.s32 $0x2;
	[smem:$0x7F9] =	sst s4  }
0x27: {  	[tilespmem:s2], [sflag:$0x2] =	stream.linear.gather [hbm4b:s9+s2], $0x20, $0x38;
	[tilespmem:$0x1080] =	vst v63  }
0x28: {  	_ =	swait.ge [sflag:s11], $0x20  }
0x29: {  	[sflag:s11] =	ssyncset.done $0x0  }
0x2a: {  	[sflag:s11] =	ssyncadd.s32 $0xFFFFFFE0  }
0x2b: {  	v0 =	vld [tilespmem:$0x0];
	_ =	sdelay $0x4  }
0x2c: {  	v1 =	vshll.u32 v0, $0x4  }
0x2d: {  	(v2sf) =	vpush v1, $0x2;
	_ =	sdelay $0x2  }
0x2e: {  	(v2sf) =	vpush v1, $0x5  }
0x2f: {  	(v2sf) =	vpush v1, $0x1  }
0x30: {  	(v2sf) =	vpush v1, $0x0;
	_ =	sdelay $0x1  }
0x31: {  	(v2sf) =	vpush v1, $0x3;
	_ =	sdelay $0x1  }
0x32: {  	(v2sf) =	vpush v1, $0x4;
	_ =	sdelay $0x1  }
0x33: {  	(v2sf) =	vpush v1, $0x6;
	_ =	sdelay $0x3  }
0x34: {  	s12 =	spop (v2sf);
	(v2sf) =	vpush v1, $0x7;
	_ =	sdelay $0x2  }
0x35: {  	s13 =	spop (v2sf)  }
0x36: {  	s10 =	rddreg [dreg:$0x6];
	(v2sf) =	vpush v1, $0x8;
	s8 =	spop (v2sf)  }
0x37: {  	s15 =	rddreg [dreg:$0x7];
	v63 =	vld [tilespmem:$0x10];
	(v2sf) =	vpush v1, $0x9;
	s9 =	spop (v2sf)  }
0x38: {  	s14 =	simm.s32 $0x80;
	s16 =	rddreg [dreg:$0x8];
	s9 =	sand.u32 $0x1FFFFFF0, s9  }
0x39: {  	s8 =	sand.u32 $0x1FFFFFF0, s8;
	(v2sf) =	vpush v1, $0xA;
	s17 =	spop (v2sf);
	s9 =	sadd.s32 s3, s9  }
0x3a: {  	(v2sf) =	vpush v1, $0xB;
	[tilespmem:s14], [sflag:$0x1] =	stream.linear.gather [hbm4b:s9+s2], $0x80, $0x38;
	[tilespmem:$0x1080] =	vst v63  }
0x3b: {  	s1 =	sand.u32 $0x1FFFFFF0, s12;
	s8 =	sadd.s32 s3, s8;
	s20 =	spop (v2sf)  }
0x3c: {  	v0 =	vshll.u32 v63, $0x4;
	(v2sf) =	vpush v1, $0xC;
	[tilespmem:s10], [sflag:$0x1] =	stream.linear.gather [hbm4b:s8+s2], $0x80, $0x38;
	[tilespmem:$0x1080] =	vst v63  }
0x3d: {  	s1 =	sadd.s32 s3, s1;
	s19 =	sand.u32 $0x1FFFFFF0, s17;
	s23 =	spop (v2sf);
	(v2sf) =	vpush v0, $0x0  }
0x3e: {  	[tilespmem:s15], [sflag:$0x1] =	stream.linear.gather [hbm4b:s1+s2], $0x80, $0x38;
	[tilespmem:$0x1080] =	vst v63  }
0x3f: {  	s21 =	rddreg [dreg:$0x9];
	s9 =	sand.u32 $0x1FFFFFF0, s20;
	s6 =	sadd.s32 s3, s19;
	(v2sf) =	vpush v1, $0xD  }
0x40: {  	[tilespmem:s16], [sflag:$0x1] =	stream.linear.gather [hbm4b:s6+s2], $0x80, $0x38;
	[tilespmem:$0x1080] =	vst v63  }
0x41: {  	s18 =	sand.u32 $0x1FFFFFF0, s13;
	s9 =	sadd.s32 s3, s9;
	s26 =	spop (v2sf);
	(v2sf) =	vpush v0, $0x1  }
0x42: {  	[tilespmem:s21], [sflag:$0x1] =	stream.linear.gather [hbm4b:s9+s2], $0x80, $0x38;
	[tilespmem:$0x1080] =	vst v63  }
0x43: {  	s22 =	rddreg [dreg:$0xa];
	s1 =	sadd.s32 s3, s18  }
0x44: {  	[tilespmem:s22], [sflag:$0x1] =	stream.linear.gather [hbm4b:s1+s2], $0x80, $0x38;
	[tilespmem:$0x1080] =	vst v63  }
0x45: {  	s24 =	rddreg [dreg:$0xb];
	s8 =	sand.u32 $0x1FFFFFF0, s23;
	s29 =	spop (v2sf);
	(v2sf) =	vpush v1, $0xE  }
0x46: {  	s25 =	rddreg [dreg:$0xc];
	s8 =	sadd.s32 s3, s8;
	s30 =	spop (v2sf)  }
0x47: {  	[tilespmem:s24], [sflag:$0x1] =	stream.linear.gather [hbm4b:s8+s2], $0x80, $0x38;
	[tilespmem:$0x1080] =	vst v63  }
0x48: {  	s28 =	rddreg [dreg:$0xd];
	s6 =	sand.u32 $0x1FFFFFF0, s26;
	(v2sf) =	vpush v0, $0x2;
	s5 =	spop (v2sf)  }
0x49: {  	s31 =	rddreg [dreg:$0xe];
	s6 =	sadd.s32 s3, s6;
	s12 =	spop (v2sf)  }
0x4a: {  	[tilespmem:s25], [sflag:$0x1] =	stream.linear.gather [hbm4b:s6+s2], $0x80, $0x38;
	[tilespmem:$0x1080] =	vst v63  }
0x4b: {  	s4 =	rddreg [dreg:$0xf];
	s9 =	sand.u32 $0x1FFFFFF0, s29;
	(v2sf) =	vpush v1, $0xF;
	s13 =	spop (v2sf)  }
0x4c: {  	s0 =	sand.u32 $0x1FFFFFF0, s30;
	s9 =	sadd.s32 s3, s9;
	s15 =	spop (v2sf)  }
0x4d: {  	[tilespmem:s28], [sflag:$0x1] =	stream.linear.gather [hbm4b:s9+s2], $0x80, $0x38;
	[tilespmem:$0x1080] =	vst v63  }
0x4e: {  	s11 =	sand.u32 $0x1FFFFFF0, s5;
	s6 =	sadd.s32 s3, s0;
	s17 =	spop (v2sf)  }
0x4f: {  	[tilespmem:s31], [sflag:$0x1] =	stream.linear.gather [hbm4b:s6+s2], $0x80, $0x38;
	[tilespmem:$0x1080] =	vst v63  }
0x50: {  	s9 =	sand.u32 $0x1FFFFFF0, s12;
	s6 =	sadd.s32 s3, s11;
	s19 =	spop (v2sf);
	(v2sf) =	vpush v0, $0x3  }
0x51: {  	[tilespmem:s4], [sflag:$0x1] =	stream.linear.gather [hbm4b:s6+s2], $0x80, $0x38;
	[tilespmem:$0x1080] =	vst v63  }
0x52: {  	s10 =	rddreg [dreg:$0x10];
	s9 =	sadd.s32 s3, s9  }
0x53: {  	[tilespmem:s10], [sflag:$0x1] =	stream.linear.gather [hbm4b:s9+s2], $0x80, $0x38;
	[tilespmem:$0x1080] =	vst v63  }
0x54: {  	s16 =	sand.u32 $0x1FFFFFF0, s13;
	s22 =	spop (v2sf);
	(v2sf) =	vpush v0, $0x4  }
0x55: {  	s14 =	rddreg [dreg:$0x11];
	s1 =	sadd.s32 s3, s16  }
0x56: {  	[tilespmem:s14], [sflag:$0x1] =	stream.linear.gather [hbm4b:s1+s2], $0x80, $0x38;
	[tilespmem:$0x1080] =	vst v63  }
0x57: {  	s9 =	sand.u32 $0x1FFFFFF0, s17;
	s23 =	spop (v2sf);
	(v2sf) =	vpush v0, $0x5  }
0x58: {  	s18 =	rddreg [dreg:$0x12];
	s20 =	sadd.s32 s3, s9  }
0x59: {  	[tilespmem:s18], [sflag:$0x1] =	stream.linear.gather [hbm4b:s20+s2], $0x80, $0x38;
	[tilespmem:$0x1080] =	vst v63  }
0x5a: {  	s25 =	spop (v2sf);
	(v2sf) =	vpush v0, $0x6  }
0x5b: {  	s9 =	sand.u32 $0x1FFFFFF0, s22  }
0x5c: {  	s21 =	rddreg [dreg:$0x13];
	s9 =	sadd.s32 s3, s9  }
0x5d: {  	[tilespmem:s21], [sflag:$0x1] =	stream.linear.gather [hbm4b:s9+s2], $0x80, $0x38;
	[tilespmem:$0x1080] =	vst v63  }
0x5e: {  	s24 =	rddreg [dreg:$0x14];
	s9 =	sand.u32 $0x1FFFFFF0, s25  }
0x5f: {  	s8 =	sand.u32 $0x1FFFFFF0, s15;
	s9 =	sadd.s32 s3, s9;
	s0 =	spop (v2sf);
	(v2sf) =	vpush v0, $0x7  }
0x60: {  	[tilespmem:s24], [sflag:$0x1] =	stream.linear.gather [hbm4b:s9+s2], $0x80, $0x38;
	[tilespmem:$0x1080] =	vst v63  }
0x61: {  	s26 =	rddreg [dreg:$0x15];
	s8 =	sadd.s32 s3, s8  }
0x62: {  	[tilespmem:s26], [sflag:$0x1] =	stream.linear.gather [hbm4b:s8+s2], $0x80, $0x38;
	[tilespmem:$0x1080] =	vst v63  }
0x63: {  	s1 =	sand.u32 $0x1FFFFFF0, s19;
	s5 =	spop (v2sf);
	(v2sf) =	vpush v0, $0x8  }
0x64: {  	s28 =	rddreg [dreg:$0x16];
	s1 =	sadd.s32 s3, s1;
	s30 =	sand.u32 $0x1FFFFFF0, s23  }
0x65: {  	[tilespmem:s28], [sflag:$0x1] =	stream.linear.gather [hbm4b:s1+s2], $0x80, $0x38;
	[tilespmem:$0x1080] =	vst v63  }
0x66: {  	s29 =	rddreg [dreg:$0x17];
	s6 =	sadd.s32 s3, s30;
	s9 =	spop (v2sf);
	(v2sf) =	vpush v0, $0x9  }
0x67: {  	[tilespmem:s29], [sflag:$0x1] =	stream.linear.gather [hbm4b:s6+s2], $0x80, $0x38;
	[tilespmem:$0x1080] =	vst v63  }
0x68: {  	s6 =	sand.u32 $0x1FFFFFF0, s0  }
0x69: {  	s31 =	rddreg [dreg:$0x18];
	s6 =	sadd.s32 s3, s6;
	s11 =	spop (v2sf);
	(v2sf) =	vpush v0, $0xA  }
0x6a: {  	[tilespmem:s31], [sflag:$0x1] =	stream.linear.gather [hbm4b:s6+s2], $0x80, $0x38;
	[tilespmem:$0x1080] =	vst v63  }
0x6b: {  	s6 =	sand.u32 $0x1FFFFFF0, s5  }
0x6c: {  	s4 =	rddreg [dreg:$0x19];
	s6 =	sadd.s32 s3, s6  }
0x6d: {  	[tilespmem:s4], [sflag:$0x1] =	stream.linear.gather [hbm4b:s6+s2], $0x80, $0x38;
	[tilespmem:$0x1080] =	vst v63  }
0x6e: {  	s6 =	sand.u32 $0x1FFFFFF0, s9;
	s13 =	spop (v2sf);
	(v2sf) =	vpush v0, $0xB  }
0x6f: {  	s8 =	rddreg [dreg:$0x1a];
	s6 =	sadd.s32 s3, s6  }
0x70: {  	[tilespmem:s8], [sflag:$0x1] =	stream.linear.gather [hbm4b:s6+s2], $0x80, $0x38;
	[tilespmem:$0x1080] =	vst v63  }
0x71: {  	s6 =	sand.u32 $0x1FFFFFF0, s11  }
0x72: {  	s10 =	rddreg [dreg:$0x1b];
	s6 =	sadd.s32 s3, s6;
	s15 =	spop (v2sf);
	(v2sf) =	vpush v0, $0xC  }
0x73: {  	[tilespmem:s10], [sflag:$0x1] =	stream.linear.gather [hbm4b:s6+s2], $0x80, $0x38;
	[tilespmem:$0x1080] =	vst v63  }
0x74: {  	s6 =	sand.u32 $0x1FFFFFF0, s13  }
0x75: {  	s12 =	rddreg [dreg:$0x1c];
	s6 =	sadd.s32 s3, s6;
	s17 =	spop (v2sf);
	(v2sf) =	vpush v0, $0xD  }
0x76: {  	[tilespmem:s12], [sflag:$0x1] =	stream.linear.gather [hbm4b:s6+s2], $0x80, $0x38;
	[tilespmem:$0x1080] =	vst v63  }
0x77: {  	s6 =	sand.u32 $0x1FFFFFF0, s15  }
0x78: {  	s14 =	rddreg [dreg:$0x1d];
	s19 =	spop (v2sf);
	(v2sf) =	vpush v0, $0xE;
	s6 =	sadd.s32 s3, s6  }
0x79: {  	[tilespmem:s14], [sflag:$0x1] =	stream.linear.gather [hbm4b:s6+s2], $0x80, $0x38;
	[tilespmem:$0x1080] =	vst v63  }
0x7a: {  	s6 =	sand.u32 $0x1FFFFFF0, s17  }
0x7b: {  	s16 =	rddreg [dreg:$0x1e];
	s6 =	sadd.s32 s3, s6  }
0x7c: {  	[tilespmem:s16], [sflag:$0x1] =	stream.linear.gather [hbm4b:s6+s2], $0x80, $0x38;
	[tilespmem:$0x1080] =	vst v63  }
0x7d: {  	s21 =	spop (v2sf);
	(v2sf) =	vpush v0, $0xF  }
0x7e: {  	s18 =	rddreg [dreg:$0x1f];
	s6 =	sand.u32 $0x1FFFFFF0, s19  }
0x7f: {  	s20 =	sld [smem:$0x7F9];
	s6 =	sadd.s32 s3, s6  }
0x80: {  	[tilespmem:s18], [sflag:$0x1] =	stream.linear.gather [hbm4b:s6+s2], $0x80, $0x38;
	[tilespmem:$0x1080] =	vst v63  }
0x81: {  	s6 =	sand.u32 $0x1FFFFFF0, s21;
	s22 =	spop (v2sf)  }
0x82: {  	s23 =	sld [smem:$0x7FA];
	s6 =	sadd.s32 s3, s6;
	s1 =	sand.u32 $0x1FFFFFF0, s22  }
0x83: {  	[tilespmem:s20], [sflag:$0x1] =	stream.linear.gather [hbm4b:s6+s2], $0x80, $0x38;
	[tilespmem:$0x1080] =	vst v63  }
0x84: {  	s25 =	sld [smem:$0x7FB];
	s24 =	spop (v2sf);
	s1 =	sadd.s32 s3, s1  }
0x85: {  	[tilespmem:s23], [sflag:$0x1] =	stream.linear.gather [hbm4b:s1+s2], $0x80, $0x38;
	[tilespmem:$0x1080] =	vst v63  }
0x86: {  	s1 =	sand.u32 $0x1FFFFFF0, s24  }
0x87: {  	s28 =	sld [smem:$0x7FC];
	s26 =	spop (v2sf);
	s1 =	sadd.s32 s3, s1  }
0x88: {  	[tilespmem:s25], [sflag:$0x1] =	stream.linear.gather [hbm4b:s1+s2], $0x80, $0x38;
	[tilespmem:$0x1080] =	vst v63  }
0x89: {  	s1 =	sand.u32 $0x1FFFFFF0, s26  }
0x8a: {  	s1 =	sadd.s32 s3, s1  }
0x8b: {  	[tilespmem:s28], [sflag:$0x1] =	stream.linear.gather [hbm4b:s1+s2], $0x80, $0x38;
	[tilespmem:$0x1080] =	vst v63  }
0x8c: {  	s30 =	sld [smem:$0x7FD];
	s29 =	spop (v2sf)  }
0x8d: {  	s1 =	sand.u32 $0x1FFFFFF0, s29  }
0x8e: {  	s6 =	simm.s32 $0x1;
	s1 =	sadd.s32 s3, s1  }
0x8f: {  	[tilespmem:s30], [sflag:$0x1] =	stream.linear.gather [hbm4b:s1+s2], $0x80, $0x38;
	[tilespmem:$0x1080] =	vst v63  }
0x90: {  	_ =	swait.ge [sflag:s6], $0x80  }
0x91: {  	[sflag:s6] =	ssyncset.done $0x0  }
0x92: {  	[sflag:s6] =	ssyncadd.s32 $0xFFFFFF80  }
0x93: {  	_ =	swait.ge [sflag:s6], $0x80  }
0x94: {  	[sflag:s6] =	ssyncset.done $0x0  }
0x95: {  	[sflag:s6] =	ssyncadd.s32 $0xFFFFFF80  }
0x96: {  	_ =	swait.ge [sflag:s6], $0x80  }
0x97: {  	[sflag:s6] =	ssyncset.done $0x0  }
0x98: {  	[sflag:s6] =	ssyncadd.s32 $0xFFFFFF80  }
0x99: {  	_ =	swait.ge [sflag:s6], $0x80  }
0x9a: {  	[sflag:s6] =	ssyncset.done $0x0  }
0x9b: {  	[sflag:s6] =	ssyncadd.s32 $0xFFFFFF80  }
0x9c: {  	_ =	swait.ge [sflag:s6], $0x80  }
0x9d: {  	[sflag:s6] =	ssyncset.done $0x0  }
0x9e: {  	[sflag:s6] =	ssyncadd.s32 $0xFFFFFF80  }
0x9f: {  	_ =	swait.ge [sflag:s6], $0x80  }
0xa0: {  	[sflag:s6] =	ssyncset.done $0x0  }
0xa1: {  	[sflag:s6] =	ssyncadd.s32 $0xFFFFFF80  }
0xa2: {  	_ =	swait.ge [sflag:s6], $0x80  }
0xa3: {  	[sflag:s6] =	ssyncset.done $0x0  }
0xa4: {  	[sflag:s6] =	ssyncadd.s32 $0xFFFFFF80  }
0xa5: {  	_ =	swait.ge [sflag:s6], $0x80  }
0xa6: {  	[sflag:s6] =	ssyncset.done $0x0  }
0xa7: {  	[sflag:s6] =	ssyncadd.s32 $0xFFFFFF80  }
0xa8: {  	_ =	swait.ge [sflag:s6], $0x80  }
0xa9: {  	[sflag:s6] =	ssyncset.done $0x0  }
0xaa: {  	[sflag:s6] =	ssyncadd.s32 $0xFFFFFF80  }
0xab: {  	_ =	swait.ge [sflag:s6], $0x80  }
0xac: {  	[sflag:s6] =	ssyncset.done $0x0  }
0xad: {  	[sflag:s6] =	ssyncadd.s32 $0xFFFFFF80  }
0xae: {  	_ =	swait.ge [sflag:s6], $0x80  }
0xaf: {  	[sflag:s6] =	ssyncset.done $0x0  }
0xb0: {  	[sflag:s6] =	ssyncadd.s32 $0xFFFFFF80  }
0xb1: {  	_ =	swait.ge [sflag:s6], $0x80  }
0xb2: {  	[sflag:s6] =	ssyncset.done $0x0  }
0xb3: {  	[sflag:s6] =	ssyncadd.s32 $0xFFFFFF80  }
0xb4: {  	_ =	swait.ge [sflag:s6], $0x80  }
0xb5: {  	[sflag:s6] =	ssyncset.done $0x0  }
0xb6: {  	[sflag:s6] =	ssyncadd.s32 $0xFFFFFF80  }
0xb7: {  	_ =	swait.ge [sflag:s6], $0x80  }
0xb8: {  	[sflag:s6] =	ssyncset.done $0x0  }
0xb9: {  	[sflag:s6] =	ssyncadd.s32 $0xFFFFFF80  }
0xba: {  	_ =	swait.ge [sflag:s6], $0x80  }
0xbb: {  	[sflag:s6] =	ssyncset.done $0x0  }
0xbc: {  	[sflag:s6] =	ssyncadd.s32 $0xFFFFFF80  }
0xbd: {  	_ =	swait.ge [sflag:s6], $0x80  }
0xbe: {  	[sflag:s6] =	ssyncset.done $0x0  }
0xbf: {  	[sflag:s6] =	ssyncadd.s32 $0xFFFFFF80  }
0xc0: {  	_ =	swait.ge [sflag:s6], $0x80  }
0xc1: {  	[sflag:s6] =	ssyncset.done $0x0  }
0xc2: {  	[sflag:s6] =	ssyncadd.s32 $0xFFFFFF80  }
0xc3: {  	_ =	swait.ge [sflag:s6], $0x80  }
0xc4: {  	[sflag:s6] =	ssyncset.done $0x0  }
0xc5: {  	[sflag:s6] =	ssyncadd.s32 $0xFFFFFF80  }
0xc6: {  	_ =	swait.ge [sflag:s6], $0x80  }
0xc7: {  	[sflag:s6] =	ssyncset.done $0x0  }
0xc8: {  	[sflag:s6] =	ssyncadd.s32 $0xFFFFFF80  }
0xc9: {  	_ =	swait.ge [sflag:s6], $0x80  }
0xca: {  	[sflag:s6] =	ssyncset.done $0x0  }
0xcb: {  	[sflag:s6] =	ssyncadd.s32 $0xFFFFFF80  }
0xcc: {  	_ =	swait.ge [sflag:s6], $0x80  }
0xcd: {  	[sflag:s6] =	ssyncset.done $0x0  }
0xce: {  	[sflag:s6] =	ssyncadd.s32 $0xFFFFFF80  }
0xcf: {  	_ =	swait.ge [sflag:s6], $0x80  }
0xd0: {  	[sflag:s6] =	ssyncset.done $0x0  }
0xd1: {  	[sflag:s6] =	ssyncadd.s32 $0xFFFFFF80  }
0xd2: {  	_ =	swait.ge [sflag:s6], $0x80  }
0xd3: {  	[sflag:s6] =	ssyncset.done $0x0  }
0xd4: {  	[sflag:s6] =	ssyncadd.s32 $0xFFFFFF80  }
0xd5: {  	_ =	swait.ge [sflag:s6], $0x80  }
0xd6: {  	s31 =	ssub.s32 $0x2, s7;
	[sflag:s6] =	ssyncset.done $0x0  }
0xd7: {  	s7 =	sshrl.u32 s31, $0x1;
	[sflag:s6] =	ssyncadd.s32 $0xFFFFFF80  }
0xd8: {  	s1 =	ssub.s32 s31, s7;
	_ =	swait.ge [sflag:s6], $0x80  }
0xd9: {  	s1 =	smax.u32 s1, $0x1;
	[sflag:s6] =	ssyncset.done $0x0  }
0xda: {  	p0 =	sne.s32 s1, $0x1;
	[sflag:s6] =	ssyncadd.s32 $0xFFFFFF80  }
.Ltmp0:
0xdb: {  	_ =	swait.ge [sflag:s6], $0x80;
	(pc) =	sbr.rel @!p0 .LBB2_3-.Ltmp0, $4  }
0xdc: {  	[sflag:s6] =	ssyncset.done $0x0  }
0xdd: {  	[sflag:s6] =	ssyncadd.s32 $0xFFFFFF80  }
0xde: {  	_ =	swait.ge [sflag:s6], $0x80  }
0xdf: {  	s13 =	sadd.s32 $0xFFFFFFFF, s1;
	[sflag:s6] =	ssyncset.done $0x0  }
0xe0: {  	s14 =	simm.s32 $0x80  }
.LBB2_2:
0xe1: {  	[sflag:s6] =	ssyncadd.s32 $0xFFFFFF80  }
0xe2: {  	_ =	swait.ge [sflag:s6], $0x80  }
0xe3: {  	[sflag:s6] =	ssyncset.done $0x0  }
0xe4: {  	[sflag:s6] =	ssyncadd.s32 $0xFFFFFF80  }
0xe5: {  	_ =	swait.ge [sflag:s6], $0x80  }
0xe6: {  	[sflag:s6] =	ssyncset.done $0x0  }
0xe7: {  	[sflag:s6] =	ssyncadd.s32 $0xFFFFFF80  }
0xe8: {  	_ =	swait.ge [sflag:s6], $0x80  }
0xe9: {  	[sflag:s6] =	ssyncset.done $0x0  }
0xea: {  	[sflag:s6] =	ssyncadd.s32 $0xFFFFFF80  }
0xeb: {  	_ =	swait.ge [sflag:s6], $0x80  }
0xec: {  	[sflag:s6] =	ssyncset.done $0x0  }
0xed: {  	[sflag:s6] =	ssyncadd.s32 $0xFFFFFF80  }
0xee: {  	_ =	swait.ge [sflag:s6], $0x80  }
0xef: {  	[sflag:s6] =	ssyncset.done $0x0  }
0xf0: {  	s0 =	simm.s32 $0x2;
	s1 =	rddreg [dreg:$0x5];
	[sflag:s6] =	ssyncadd.s32 $0xFFFFFF80  }
0xf1: {  	[hbm4b:s1+s2] =	stream.linear.scatter [tilespmem:s14], [sflag:$0x2], $0x1000, $0x38;
	[tilespmem:$0x1080] =	vst v63  }
0xf2: {  	_ =	swait.ge [sflag:s0], $0x1000  }
0xf3: {  	[sflag:s0] =	ssyncset.done $0x0  }
0xf4: {  	s31 =	rddreg [dreg:$0x4];
	[sflag:s0] =	ssyncadd.s32 $0xFFFFF000  }
0xf5: {  	[tilespmem:s2], [sflag:$0x2] =	stream.linear.gather [hbm4b:s31+s2], $0x20, $0x38;
	[tilespmem:$0x1080] =	vst v63  }
0xf6: {  	_ =	swait.ge [sflag:s0], $0x20  }
0xf7: {  	s4 =	sld [smem:$0x7F9]  }
0xf8: {  	s5 =	rddreg [dreg:$0x1f]  }
0xf9: {  	s7 =	rddreg [dreg:$0x1e]  }
0xfa: {  	s8 =	rddreg [dreg:$0x1d]  }
0xfb: {  	s9 =	rddreg [dreg:$0x1c]  }
0xfc: {  	s28 =	rddreg [dreg:$0x7]  }
0xfd: {  	[sflag:s0] =	ssyncset.done $0x0;
	s31 =	rddreg [dreg:$0x6]  }
0xfe: {  	s10 =	rddreg [dreg:$0x1b];
	[sflag:s0] =	ssyncadd.s32 $0xFFFFFFE0  }
0xff: {  	s11 =	rddreg [dreg:$0x1a];
	v0 =	vld [tilespmem:$0x0]  }
0x100: {  	s15 =	rddreg [dreg:$0x19]  }
0x101: {  	s30 =	rddreg [dreg:$0x8]  }
0x102: {  	s16 =	rddreg [dreg:$0x18]  }
0x103: {  	s17 =	rddreg [dreg:$0x17]  }
0x104: {  	s18 =	rddreg [dreg:$0x16];
	v1 =	vshll.u32 v0, $0x4  }
0x105: {  	s19 =	rddreg [dreg:$0x15];
	(v2sf) =	vpush v1, $0x2  }
0x106: {  	s20 =	rddreg [dreg:$0x14];
	(v2sf) =	vpush v1, $0x5  }
0x107: {  	s21 =	rddreg [dreg:$0x13];
	(v2sf) =	vpush v1, $0x1  }
0x108: {  	s22 =	rddreg [dreg:$0x12];
	(v2sf) =	vpush v1, $0x0  }
0x109: {  	s23 =	rddreg [dreg:$0x11];
	(v2sf) =	vpush v1, $0x3  }
0x10a: {  	s24 =	rddreg [dreg:$0x10];
	(v2sf) =	vpush v1, $0x4  }
0x10b: {  	s25 =	rddreg [dreg:$0xf]  }
0x10c: {  	s26 =	rddreg [dreg:$0xe];
	(v2sf) =	vpush v1, $0x6  }
0x10d: {  	s29 =	rddreg [dreg:$0xd]  }
0x10e: {  	s1 =	rddreg [dreg:$0xc];
	(v2sf) =	vpush v1, $0x7  }
0x10f: {  	[smem:$0x7F7] =	sst s5  }
0x110: {  	[smem:$0x7F6] =	sst s7;
	(v2sf) =	vpush v1, $0x8  }
0x111: {  	[smem:$0x7F5] =	sst s8  }
0x112: {  	[smem:$0x7F4] =	sst s9  }
0x113: {  	[smem:$0x7F3] =	sst s10;
	(v2sf) =	vpush v1, $0x9  }
0x114: {  	[smem:$0x7F2] =	sst s11;
	s12 =	spop (v2sf)  }
0x115: {  	s8 =	rddreg [dreg:$0xa];
	v63 =	vld [tilespmem:$0x10];
	(v2sf) =	vpush v1, $0xA;
	s5 =	spop (v2sf)  }
0x116: {  	s10 =	rddreg [dreg:$0x9];
	s7 =	spop (v2sf)  }
0x117: {  	[smem:$0x7F8] =	sst s4;
	s0 =	sand.u32 $0x1FFFFFF0, s12;
	(v2sf) =	vpush v1, $0xB;
	s9 =	spop (v2sf)  }
0x118: {  	s0 =	sadd.s32 s3, s0;
	s9 =	sand.u32 $0x1FFFFFF0, s9;
	s11 =	spop (v2sf)  }
0x119: {  	s7 =	sand.u32 $0x1FFFFFF0, s7;
	(v2sf) =	vpush v1, $0xC;
	s9 =	sadd.s32 s3, s9;
	s12 =	spop (v2sf)  }
0x11a: {  	v0 =	vshll.u32 v63, $0x4;
	[tilespmem:s14], [sflag:$0x1] =	stream.linear.gather [hbm4b:s9+s2], $0x80, $0x38;
	[tilespmem:$0x1080] =	vst v63  }
0x11b: {  	s7 =	sadd.s32 s3, s7;
	(v2sf) =	vpush v0, $0x0;
	s9 =	sand.u32 $0x1FFFFFF0, s12;
	s12 =	spop (v2sf)  }
0x11c: {  	[tilespmem:s31], [sflag:$0x1] =	stream.linear.gather [hbm4b:s7+s2], $0x80, $0x38;
	[tilespmem:$0x1080] =	vst v63  }
0x11d: {  	s11 =	sand.u32 $0x1FFFFFF0, s11;
	(v2sf) =	vpush v1, $0xD;
	s7 =	sand.u32 $0x1FFFFFF0, s12;
	s12 =	spop (v2sf)  }
0x11e: {  	[tilespmem:s28], [sflag:$0x1] =	stream.linear.gather [hbm4b:s0+s2], $0x80, $0x38;
	[tilespmem:$0x1080] =	vst v63  }
0x11f: {  	s4 =	rddreg [dreg:$0xb];
	(v2sf) =	vpush v0, $0x1;
	s31 =	sadd.s32 s3, s11;
	s28 =	spop (v2sf)  }
0x120: {  	[tilespmem:s30], [sflag:$0x1] =	stream.linear.gather [hbm4b:s31+s2], $0x80, $0x38;
	[tilespmem:$0x1080] =	vst v63  }
0x121: {  	s5 =	sand.u32 $0x1FFFFFF0, s5;
	(v2sf) =	vpush v1, $0xE;
	s30 =	sadd.s32 s3, s9;
	s9 =	sand.u32 $0x1FFFFFF0, s28  }
0x122: {  	s11 =	sand.u32 $0x1FFFFFF0, s12;
	s31 =	spop (v2sf);
	s12 =	sadd.s32 s3, s9  }
0x123: {  	(v2sf) =	vpush v0, $0x2;
	[tilespmem:s10], [sflag:$0x1] =	stream.linear.gather [hbm4b:s30+s2], $0x80, $0x38;
	[tilespmem:$0x1080] =	vst v63  }
0x124: {  	s10 =	sadd.s32 s3, s5;
	s5 =	sand.u32 $0x1FFFFFF0, s31;
	s28 =	spop (v2sf)  }
0x125: {  	(v2sf) =	vpush v1, $0xF;
	[tilespmem:s8], [sflag:$0x1] =	stream.linear.gather [hbm4b:s10+s2], $0x80, $0x38;
	[tilespmem:$0x1080] =	vst v63  }
0x126: {  	s30 =	sadd.s32 s3, s7;
	s7 =	sand.u32 $0x1FFFFFF0, s28;
	s31 =	spop (v2sf)  }
0x127: {  	(v2sf) =	vpush v0, $0x3;
	[tilespmem:s4], [sflag:$0x1] =	stream.linear.gather [hbm4b:s30+s2], $0x80, $0x38;
	[tilespmem:$0x1080] =	vst v63  }
0x128: {  	s10 =	sadd.s32 s3, s11;
	s7 =	sadd.s32 s3, s7;
	s11 =	spop (v2sf)  }
0x129: {  	(v2sf) =	vpush v0, $0x4;
	[tilespmem:s1], [sflag:$0x1] =	stream.linear.gather [hbm4b:s10+s2], $0x80, $0x38;
	[tilespmem:$0x1080] =	vst v63  }
0x12a: {  	s4 =	sand.u32 $0x1FFFFFF0, s31;
	s30 =	sadd.s32 s3, s5;
	s28 =	spop (v2sf);
	(v2sf) =	vpush v0, $0x5  }
0x12b: {  	[tilespmem:s29], [sflag:$0x1] =	stream.linear.gather [hbm4b:s12+s2], $0x80, $0x38;
	[tilespmem:$0x1080] =	vst v63  }
0x12c: {  	s1 =	sand.u32 $0x1FFFFFF0, s11;
	s11 =	sadd.s32 s3, s4;
	s31 =	spop (v2sf);
	(v2sf) =	vpush v0, $0x6  }
0x12d: {  	[tilespmem:s26], [sflag:$0x1] =	stream.linear.gather [hbm4b:s30+s2], $0x80, $0x38;
	[tilespmem:$0x1080] =	vst v63  }
0x12e: {  	s5 =	sand.u32 $0x1FFFFFF0, s28;
	s9 =	sand.u32 $0x1FFFFFF0, s31;
	s10 =	spop (v2sf)  }
0x12f: {  	[tilespmem:s25], [sflag:$0x1] =	stream.linear.gather [hbm4b:s7+s2], $0x80, $0x38;
	[tilespmem:$0x1080] =	vst v63  }
0x130: {  	(v2sf) =	vpush v0, $0x7;
	s29 =	sadd.s32 s3, s9;
	s4 =	sand.u32 $0x1FFFFFF0, s10;
	s12 =	spop (v2sf)  }
0x131: {  	[tilespmem:s24], [sflag:$0x1] =	stream.linear.gather [hbm4b:s11+s2], $0x80, $0x38;
	[tilespmem:$0x1080] =	vst v63  }
0x132: {  	(v2sf) =	vpush v0, $0x8;
	s25 =	sadd.s32 s3, s1;
	s26 =	sand.u32 $0x1FFFFFF0, s12;
	s28 =	spop (v2sf)  }
0x133: {  	[tilespmem:s23], [sflag:$0x1] =	stream.linear.gather [hbm4b:s25+s2], $0x80, $0x38;
	[tilespmem:$0x1080] =	vst v63  }
0x134: {  	(v2sf) =	vpush v0, $0x9;
	s1 =	sadd.s32 s3, s26;
	s30 =	sand.u32 $0x1FFFFFF0, s28;
	s31 =	spop (v2sf)  }
0x135: {  	[tilespmem:s22], [sflag:$0x1] =	stream.linear.gather [hbm4b:s29+s2], $0x80, $0x38;
	[tilespmem:$0x1080] =	vst v63  }
0x136: {  	s26 =	sadd.s32 s3, s30;
	s23 =	sadd.s32 s3, s4;
	s9 =	spop (v2sf)  }
0x137: {  	[tilespmem:s21], [sflag:$0x1] =	stream.linear.gather [hbm4b:s1+s2], $0x80, $0x38;
	[tilespmem:$0x1080] =	vst v63  }
0x138: {  	(v2sf) =	vpush v0, $0xA;
	s8 =	sand.u32 $0x1FFFFFF0, s31;
	s11 =	sand.u32 $0x1FFFFFF0, s9;
	s12 =	spop (v2sf)  }
0x139: {  	s10 =	sadd.s32 s3, s8;
	s30 =	sadd.s32 s3, s11;
	s22 =	spop (v2sf)  }
0x13a: {  	(v2sf) =	vpush v0, $0xB;
	[tilespmem:s20], [sflag:$0x1] =	stream.linear.gather [hbm4b:s10+s2], $0x80, $0x38;
	[tilespmem:$0x1080] =	vst v63  }
0x13b: {  	s21 =	sand.u32 $0x1FFFFFF0, s12;
	s20 =	sadd.s32 s3, s5;
	s25 =	spop (v2sf)  }
0x13c: {  	[tilespmem:s19], [sflag:$0x1] =	stream.linear.gather [hbm4b:s20+s2], $0x80, $0x38;
	[tilespmem:$0x1080] =	vst v63  }
0x13d: {  	s24 =	sand.u32 $0x1FFFFFF0, s22;
	s10 =	sadd.s32 s3, s21;
	s28 =	sand.u32 $0x1FFFFFF0, s25  }
0x13e: {  	(v2sf) =	vpush v0, $0xC;
	[tilespmem:s18], [sflag:$0x1] =	stream.linear.gather [hbm4b:s23+s2], $0x80, $0x38;
	[tilespmem:$0x1080] =	vst v63  }
0x13f: {  	s29 =	spop (v2sf);
	s19 =	sld [smem:$0x7F2];
	s20 =	sadd.s32 s3, s28  }
0x140: {  	(v2sf) =	vpush v0, $0xD;
	[tilespmem:s17], [sflag:$0x1] =	stream.linear.gather [hbm4b:s26+s2], $0x80, $0x38;
	[tilespmem:$0x1080] =	vst v63  }
0x141: {  	s28 =	sld [smem:$0x7F4];
	s31 =	sand.u32 $0x1FFFFFF0, s29;
	s9 =	spop (v2sf)  }
0x142: {  	(v2sf) =	vpush v0, $0xE;
	[tilespmem:s16], [sflag:$0x1] =	stream.linear.gather [hbm4b:s30+s2], $0x80, $0x38;
	[tilespmem:$0x1080] =	vst v63  }
0x143: {  	s23 =	sld [smem:$0x7F3];
	s11 =	sand.u32 $0x1FFFFFF0, s9;
	s12 =	spop (v2sf)  }
0x144: {  	[tilespmem:s15], [sflag:$0x1] =	stream.linear.gather [hbm4b:s10+s2], $0x80, $0x38;
	[tilespmem:$0x1080] =	vst v63  }
0x145: {  	s29 =	sadd.s32 s3, s11;
	s17 =	sand.u32 $0x1FFFFFF0, s12;
	s16 =	sadd.s32 s3, s24  }
0x146: {  	(v2sf) =	vpush v0, $0xF;
	[tilespmem:s19], [sflag:$0x1] =	stream.linear.gather [hbm4b:s16+s2], $0x80, $0x38;
	[tilespmem:$0x1080] =	vst v63  }
0x147: {  	s24 =	sadd.s32 s3, s31;
	s18 =	spop (v2sf);
	s10 =	sld [smem:$0x7F5]  }
0x148: {  	[tilespmem:s23], [sflag:$0x1] =	stream.linear.gather [hbm4b:s20+s2], $0x80, $0x38;
	[tilespmem:$0x1080] =	vst v63  }
0x149: {  	s11 =	sadd.s32 s3, s17;
	s22 =	spop (v2sf);
	s16 =	sld [smem:$0x7F6]  }
0x14a: {  	[tilespmem:s28], [sflag:$0x1] =	stream.linear.gather [hbm4b:s24+s2], $0x80, $0x38;
	[tilespmem:$0x1080] =	vst v63  }
0x14b: {  	s21 =	sand.u32 $0x1FFFFFF0, s18;
	s25 =	sand.u32 $0x1FFFFFF0, s22;
	s22 =	sld [smem:$0x7FA]  }
0x14c: {  	[tilespmem:s10], [sflag:$0x1] =	stream.linear.gather [hbm4b:s29+s2], $0x80, $0x38;
	[tilespmem:$0x1080] =	vst v63  }
0x14d: {  	s17 =	sadd.s32 s3, s21;
	s26 =	spop (v2sf);
	s20 =	sld [smem:$0x7F7]  }
0x14e: {  	[tilespmem:s16], [sflag:$0x1] =	stream.linear.gather [hbm4b:s11+s2], $0x80, $0x38;
	[tilespmem:$0x1080] =	vst v63  }
0x14f: {  	s21 =	sadd.s32 s3, s25;
	s31 =	spop (v2sf);
	s23 =	sld [smem:$0x7F8]  }
0x150: {  	[tilespmem:s20], [sflag:$0x1] =	stream.linear.gather [hbm4b:s17+s2], $0x80, $0x38;
	[tilespmem:$0x1080] =	vst v63  }
0x151: {  	s25 =	sld [smem:$0x7FB];
	s30 =	sand.u32 $0x1FFFFFF0, s26;
	s15 =	spop (v2sf)  }
0x152: {  	[tilespmem:s23], [sflag:$0x1] =	stream.linear.gather [hbm4b:s21+s2], $0x80, $0x38;
	[tilespmem:$0x1080] =	vst v63  }
0x153: {  	s12 =	sand.u32 $0x1FFFFFF0, s31;
	s18 =	sand.u32 $0x1FFFFFF0, s15;
	s24 =	sadd.s32 s3, s30  }
0x154: {  	[tilespmem:s22], [sflag:$0x1] =	stream.linear.gather [hbm4b:s24+s2], $0x80, $0x38;
	[tilespmem:$0x1080] =	vst v63  }
0x155: {  	s26 =	sadd.s32 s3, s12;
	s28 =	sld [smem:$0x7FC];
	s19 =	spop (v2sf)  }
0x156: {  	[tilespmem:s25], [sflag:$0x1] =	stream.linear.gather [hbm4b:s26+s2], $0x80, $0x38;
	[tilespmem:$0x1080] =	vst v63  }
0x157: {  	s30 =	sld [smem:$0x7FD];
	s8 =	sand.u32 $0x1FFFFFF0, s19;
	s29 =	sadd.s32 s3, s18  }
0x158: {  	[tilespmem:s28], [sflag:$0x1] =	stream.linear.gather [hbm4b:s29+s2], $0x80, $0x38;
	[tilespmem:$0x1080] =	vst v63  }
0x159: {  	s31 =	sadd.s32 s3, s8  }
0x15a: {  	[tilespmem:s30], [sflag:$0x1] =	stream.linear.gather [hbm4b:s31+s2], $0x80, $0x38;
	[tilespmem:$0x1080] =	vst v63  }
0x15b: {  	_ =	swait.ge [sflag:s6], $0x80  }
0x15c: {  	[sflag:s6] =	ssyncset.done $0x0  }
0x15d: {  	[sflag:s6] =	ssyncadd.s32 $0xFFFFFF80  }
0x15e: {  	_ =	swait.ge [sflag:s6], $0x80  }
0x15f: {  	[sflag:s6] =	ssyncset.done $0x0  }
0x160: {  	[sflag:s6] =	ssyncadd.s32 $0xFFFFFF80  }
0x161: {  	_ =	swait.ge [sflag:s6], $0x80  }
0x162: {  	[sflag:s6] =	ssyncset.done $0x0  }
0x163: {  	[sflag:s6] =	ssyncadd.s32 $0xFFFFFF80  }
0x164: {  	_ =	swait.ge [sflag:s6], $0x80  }
0x165: {  	[sflag:s6] =	ssyncset.done $0x0  }
0x166: {  	[sflag:s6] =	ssyncadd.s32 $0xFFFFFF80  }
0x167: {  	_ =	swait.ge [sflag:s6], $0x80  }
0x168: {  	[sflag:s6] =	ssyncset.done $0x0  }
0x169: {  	[sflag:s6] =	ssyncadd.s32 $0xFFFFFF80  }
0x16a: {  	_ =	swait.ge [sflag:s6], $0x80  }
0x16b: {  	[sflag:s6] =	ssyncset.done $0x0  }
0x16c: {  	[sflag:s6] =	ssyncadd.s32 $0xFFFFFF80  }
0x16d: {  	_ =	swait.ge [sflag:s6], $0x80  }
0x16e: {  	[sflag:s6] =	ssyncset.done $0x0  }
0x16f: {  	[sflag:s6] =	ssyncadd.s32 $0xFFFFFF80  }
0x170: {  	_ =	swait.ge [sflag:s6], $0x80  }
0x171: {  	[sflag:s6] =	ssyncset.done $0x0  }
0x172: {  	[sflag:s6] =	ssyncadd.s32 $0xFFFFFF80  }
0x173: {  	_ =	swait.ge [sflag:s6], $0x80  }
0x174: {  	[sflag:s6] =	ssyncset.done $0x0  }
0x175: {  	[sflag:s6] =	ssyncadd.s32 $0xFFFFFF80  }
0x176: {  	_ =	swait.ge [sflag:s6], $0x80  }
0x177: {  	[sflag:s6] =	ssyncset.done $0x0  }
0x178: {  	[sflag:s6] =	ssyncadd.s32 $0xFFFFFF80  }
0x179: {  	_ =	swait.ge [sflag:s6], $0x80  }
0x17a: {  	[sflag:s6] =	ssyncset.done $0x0  }
0x17b: {  	[sflag:s6] =	ssyncadd.s32 $0xFFFFFF80  }
0x17c: {  	_ =	swait.ge [sflag:s6], $0x80  }
0x17d: {  	[sflag:s6] =	ssyncset.done $0x0  }
0x17e: {  	[sflag:s6] =	ssyncadd.s32 $0xFFFFFF80  }
0x17f: {  	_ =	swait.ge [sflag:s6], $0x80  }
0x180: {  	[sflag:s6] =	ssyncset.done $0x0  }
0x181: {  	[sflag:s6] =	ssyncadd.s32 $0xFFFFFF80  }
0x182: {  	_ =	swait.ge [sflag:s6], $0x80  }
0x183: {  	[sflag:s6] =	ssyncset.done $0x0  }
0x184: {  	[sflag:s6] =	ssyncadd.s32 $0xFFFFFF80  }
0x185: {  	_ =	swait.ge [sflag:s6], $0x80  }
0x186: {  	[sflag:s6] =	ssyncset.done $0x0  }
0x187: {  	[sflag:s6] =	ssyncadd.s32 $0xFFFFFF80  }
0x188: {  	_ =	swait.ge [sflag:s6], $0x80  }
0x189: {  	[sflag:s6] =	ssyncset.done $0x0  }
0x18a: {  	[sflag:s6] =	ssyncadd.s32 $0xFFFFFF80  }
0x18b: {  	_ =	swait.ge [sflag:s6], $0x80  }
0x18c: {  	[sflag:s6] =	ssyncset.done $0x0  }
0x18d: {  	[sflag:s6] =	ssyncadd.s32 $0xFFFFFF80  }
0x18e: {  	_ =	swait.ge [sflag:s6], $0x80  }
0x18f: {  	[sflag:s6] =	ssyncset.done $0x0  }
0x190: {  	[sflag:s6] =	ssyncadd.s32 $0xFFFFFF80  }
0x191: {  	_ =	swait.ge [sflag:s6], $0x80  }
0x192: {  	[sflag:s6] =	ssyncset.done $0x0  }
0x193: {  	[sflag:s6] =	ssyncadd.s32 $0xFFFFFF80  }
0x194: {  	_ =	swait.ge [sflag:s6], $0x80  }
0x195: {  	[sflag:s6] =	ssyncset.done $0x0  }
0x196: {  	[sflag:s6] =	ssyncadd.s32 $0xFFFFFF80  }
0x197: {  	_ =	swait.ge [sflag:s6], $0x80  }
0x198: {  	[sflag:s6] =	ssyncset.done $0x0  }
0x199: {  	[sflag:s6] =	ssyncadd.s32 $0xFFFFFF80  }
0x19a: {  	_ =	swait.ge [sflag:s6], $0x80  }
0x19b: {  	[sflag:s6] =	ssyncset.done $0x0  }
0x19c: {  	[sflag:s6] =	ssyncadd.s32 $0xFFFFFF80  }
0x19d: {  	_ =	swait.ge [sflag:s6], $0x80  }
0x19e: {  	[sflag:s6] =	ssyncset.done $0x0  }
0x19f: {  	[sflag:s6] =	ssyncadd.s32 $0xFFFFFF80  }
0x1a0: {  	_ =	swait.ge [sflag:s6], $0x80  }
0x1a1: {  	[sflag:s6] =	ssyncset.done $0x0  }
0x1a2: {  	[sflag:s6] =	ssyncadd.s32 $0xFFFFFF80  }
0x1a3: {  	_ =	swait.ge [sflag:s6], $0x80  }
0x1a4: {  	[sflag:s6] =	ssyncset.done $0x0  }
0x1a5: {  	p0 =	sne.s32 s13, $0x1;
	[sflag:s6] =	ssyncadd.s32 $0xFFFFFF80  }
.Ltmp1:
0x1a6: {  	_ =	swait.ge [sflag:s6], $0x80;
	(pc) =	sbr.rel @p0 .LBB2_2-.Ltmp1, $4  }
0x1a7: {  	[sflag:s6] =	ssyncset.done $0x0  }
0x1a8: {  	[sflag:s6] =	ssyncadd.s32 $0xFFFFFF80  }
0x1a9: {  	_ =	swait.ge [sflag:s6], $0x80  }
0x1aa: {  	s13 =	sadd.s32 $0xFFFFFFFF, s13;
	[sflag:s6] =	ssyncset.done $0x0  }
.LBB2_3:
0x1ab: {  	[sflag:s6] =	ssyncadd.s32 $0xFFFFFF80  }
0x1ac: {  	_ =	swait.ge [sflag:s6], $0x80  }
0x1ad: {  	[sflag:s6] =	ssyncset.done $0x0  }
0x1ae: {  	[sflag:s6] =	ssyncadd.s32 $0xFFFFFF80  }
0x1af: {  	_ =	swait.ge [sflag:s6], $0x80  }
0x1b0: {  	[sflag:s6] =	ssyncset.done $0x0  }
0x1b1: {  	[sflag:s6] =	ssyncadd.s32 $0xFFFFFF80  }
0x1b2: {  	_ =	swait.ge [sflag:s6], $0x80  }
0x1b3: {  	[sflag:s6] =	ssyncset.done $0x0  }
0x1b4: {  	[sflag:s6] =	ssyncadd.s32 $0xFFFFFF80  }
0x1b5: {  	_ =	swait.ge [sflag:s6], $0x80  }
0x1b6: {  	[sflag:s6] =	ssyncset.done $0x0  }
0x1b7: {  	[sflag:s6] =	ssyncadd.s32 $0xFFFFFF80  }
0x1b8: {  	_ =	swait.ge [sflag:s6], $0x80  }
0x1b9: {  	s1 =	simm.s32 $0x80;
	[sflag:s6] =	ssyncset.done $0x0  }
0x1ba: {  	s30 =	simm.s32 $0x2;
	s0 =	rddreg [dreg:$0x5];
	[sflag:s6] =	ssyncadd.s32 $0xFFFFFF80  }
0x1bb: {  	[hbm4b:s0+s2] =	stream.linear.scatter [tilespmem:s1], [sflag:$0x2], $0x1000, $0x38;
	[tilespmem:$0x1080] =	vst v63  }
0x1bc: {  	_ =	swait.ge [sflag:s30], $0x1000  }
0x1bd: {  	[sflag:s30] =	ssyncset.done $0x0  }
0x1be: {  	[sflag:s30] =	ssyncadd.s32 $0xFFFFF000  }
0x1bf: {  	_ =	sfence.sel $0x180000  }
0x1c0: {  	[bflag:$0x0] =	sbarrier.arrive $0xFFFF  }
0x1c1: {  	_ =	strace $0x90000047  }
0x1c2: {  	s31 =	stileid.u32;
	[bflag:$0x2] =	sbarrier.arrive $0xFFFF  }
0x1c3: {  	p0 =	sne.s32 s31, $0x0;
	s0 =	rddreg [dreg:$0x3]  }
0x1c4: {  	s0 =	sadd.s32 @!p0 $0x100000, s0  }
0x1c5: {  	[sflag:s0] =	ssyncadd.tile.s32 @!p0 $0x1;
	_ =	shalt  }
.Lfunc_end2:
_tile_overlayer_lowered:
.L_overlay_start_2:
0x1c6: {  	(tag) =	ssettag $0x2  }
0x1c7: {  	s0 =	rddreg [dreg:$0x0];
	s2 =	stileid.u32  }
0x1c8: {  	s1 =	rddreg [dreg:$0x1];
	p0 =	sne.s32 s2, $0x0  }
0x1c9: {  	s3 =	rddreg [dreg:$0x2];
	[bflag:$0x3] =	sbarrier.arrive $0xFFFF;
	s2 =	simm.s32 @!p0 $0x1C02  }
0x1ca: {  	[timem:s3], [sflag:s2] =	dma.local @!p0 [hbm:s0], s1  }
0x1cb: {  	s0 =	simm.s32 @!p0 $0x2  }
0x1cc: {  	_ =	swait.ge @!p0 [sflag:s0], s1  }
0x1cd: {  	s1 =	ssub.s32 @!p0 $0x0, s1;
	[sflag:s0] =	ssyncset.done @!p0 $0x0  }
0x1ce: {  	[sflag:s0] =	ssyncadd.s32 @!p0 s1  }
0x1cf: {  	[bflag:$0x3] =	sbarrier.arrive $0xFFFF  }
0x1d0: {  	_ =	shalt  }

</sc_bundles>
